<compile_context>
chip_gen: v7x
topology: tpu7x:2x2x1
jax: 0.10.2.dev20260603
libtpu: 0.0.44.dev20260713+nightly
codegen_flags: <defaults>
</compile_context>

<pallas_src>
import functools

import jax
import jax.numpy as jnp
from jax import lax
from jax.experimental import pallas as pl
from jax.experimental.pallas import tpu as pltpu
from jax.experimental.pallas import tpu_sc as plsc

N = 10000
D = 128
E = 320000
NP = 10240
CHUNK = 128
CPT = 80
EPT = CPT * CHUNK
EP = 32 * EPT
RPT = NP // 16


def _wid():
    cid = lax.axis_index("c")
    sid = lax.axis_index("s")
    return cid, sid, sid * 2 + cid


def _deg_body(dst1, degp, idxbuf, deg_local):
    cid, sid, wid = _wid()
    zeros16 = jnp.zeros((16,), jnp.float32)
    ones16 = jnp.ones((16,), jnp.float32)

    @pl.loop(0, NP // 16)
    def _(i):
        deg_local[pl.ds(i * 16, 16)] = zeros16

    pltpu.sync_copy(dst1.at[pl.ds(wid * EPT, EPT)], idxbuf)

    @pl.loop(0, EPT // 16)
    def _(j):
        idx = idxbuf[pl.ds(j * 16, 16)]
        plsc.addupdate_scatter(deg_local, [idx], ones16)

    pltpu.sync_copy(deg_local, degp.at[wid])


def _agg_body(xs_hbm, src1, dst1, outp, sidx, didx, rows, acc, gsem):
    cid, sid, wid = _wid()
    zeros16 = jnp.zeros((16,), jnp.float32)

    @pl.loop(0, CHUNK)
    def _(i):
        for k in range(D // 16):
            rows[i, pl.ds(k * 16, 16)] = zeros16

    for b in range(RPT // CHUNK):
        pltpu.sync_copy(rows, acc.at[pl.ds(sid * RPT + b * CHUNK, CHUNK)])
    plsc.subcore_barrier()

    @pl.loop(0, CPT)
    def _(j):
        off = wid * EPT + j * CHUNK
        pltpu.sync_copy(src1.at[pl.ds(off, CHUNK)], sidx)
        pltpu.sync_copy(dst1.at[pl.ds(off, CHUNK)], didx)
        pltpu.async_copy(xs_hbm.at[sidx], rows, gsem).wait()
        pltpu.sync_copy(rows, acc.at[didx], add=True)

    plsc.subcore_barrier()
    pltpu.sync_copy(acc.at[pl.ds(sid * RPT, RPT)],
                    outp.at[cid].at[pl.ds(sid * RPT, RPT)])


def _make_sc_deg():
    return pl.kernel(
        _deg_body,
        out_type=jax.ShapeDtypeStruct((32, NP), jnp.float32),
        mesh=plsc.VectorSubcoreMesh(core_axis_name="c", subcore_axis_name="s"),
        compiler_params=pltpu.CompilerParams(needs_layout_passes=False),
        scratch_types=[
            pltpu.VMEM((EPT,), jnp.int32),
            pltpu.VMEM((NP,), jnp.float32),
        ],
    )


def _make_sc_agg():
    return pl.kernel(
        _agg_body,
        out_type=jax.ShapeDtypeStruct((2, NP, D), jnp.float32),
        mesh=plsc.VectorSubcoreMesh(core_axis_name="c", subcore_axis_name="s"),
        compiler_params=pltpu.CompilerParams(needs_layout_passes=False),
        scratch_types=[
            pltpu.VMEM((CHUNK,), jnp.int32),
            pltpu.VMEM((CHUNK,), jnp.int32),
            pltpu.VMEM((CHUNK, D), jnp.float32),
            pltpu.VMEM_SHARED((NP, D), jnp.float32),
            pltpu.SemaphoreType.DMA,
        ],
    )


def _inv_col(degc):
    deg = jnp.sum(degc, axis=1, keepdims=True)
    return lax.rsqrt(jnp.maximum(deg, 1.0))


def _prescale_body(x_ref, degc_ref, xs_ref):
    xs_ref[...] = x_ref[...] * _inv_col(degc_ref[...])


def _mid_body(sp_ref, w_ref, degc_ref, hs_ref):
    s = sp_ref[0] + sp_ref[1]
    t = jnp.maximum(jnp.dot(s, w_ref[...], preferred_element_type=jnp.float32), 0.0)
    nrm = jnp.sqrt(jnp.sum(t * t, axis=1, keepdims=True))
    h = t / jnp.maximum(nrm, 1e-12)
    hs_ref[...] = h * _inv_col(degc_ref[...])


def _out_body(sp_ref, w_ref, degc_ref, o_ref):
    s = (sp_ref[0] + sp_ref[1]) * _inv_col(degc_ref[...])
    o_ref[...] = jnp.dot(s, w_ref[...], preferred_element_type=jnp.float32)


def kernel(x, edge_index, W1, W2):
    src = edge_index[0].astype(jnp.int32)
    dst = edge_index[1].astype(jnp.int32)
    pad = jnp.full((EP - E,), N, jnp.int32)
    srcp = jnp.concatenate([src, pad])
    dstp = jnp.concatenate([dst, pad])
    x_pad = jnp.pad(x, ((0, NP - N), (0, 0)))

    degp = _make_sc_deg()(dstp)
    degc = degp.T

    xs = pl.pallas_call(
        _prescale_body,
        out_shape=jax.ShapeDtypeStruct((NP, D), jnp.float32),
    )(x_pad, degc)

    s1 = _make_sc_agg()(xs, srcp, dstp)

    hs = pl.pallas_call(
        _mid_body,
        out_shape=jax.ShapeDtypeStruct((NP, D), jnp.float32),
    )(s1, W1, degc)

    s2 = _make_sc_agg()(hs, srcp, dstp)

    outp = pl.pallas_call(
        _out_body,
        out_shape=jax.ShapeDtypeStruct((NP, D), jnp.float32),
    )(s2, W2, degc)

    return outp[:N]

# --- scband reference (transcript-rebuilt; emitter-appended) ---
"""Pipeline reference for scband-ssd-24283745091816 (READ-ONLY COPY).

The authoritative reference and input builder live on the scoring server;
editing this copy changes nothing except your own understanding.
"""

import jax, jax.numpy as jnp
import numpy as np

N_NODES = 10000
N_EDGES = 320000
D_FEAT = 128


def setup_inputs(seed: int = 0) -> dict:
    key = jax.random.key(seed)
    k_x, k_e, k_w1, k_w2 = jax.random.split(key, 4)
    x = jax.random.normal(k_x, (N_NODES, D_FEAT), dtype=jnp.float32)
    edge_index = jax.random.randint(k_e, (2, N_EDGES), 0, N_NODES, dtype=jnp.int64)
    scale = 1.0 / np.sqrt(D_FEAT)
    W1 = jax.random.normal(k_w1, (D_FEAT, D_FEAT), dtype=jnp.float32) * scale
    W2 = jax.random.normal(k_w2, (D_FEAT, D_FEAT), dtype=jnp.float32) * scale
    return {"x": x, "edge_index": edge_index, "W1": W1, "W2": W2}


def _gcn_agg(x, src, dst, n):
    # symmetric-normalized GCN aggregation: D^{-1/2} A D^{-1/2} X
    deg = jnp.zeros((n,), dtype=x.dtype).at[dst].add(1.0)
    deg = jnp.maximum(deg, 1.0)
    inv_sqrt = jax.lax.rsqrt(deg)
    coef = inv_sqrt[src] * inv_sqrt[dst]
    msgs = x[src] * coef[:, None]
    return jnp.zeros((n, x.shape[1]), dtype=x.dtype).at[dst].add(msgs)


def _l2_normalize(x, eps=1e-12):
    # faithful to torch F.normalize(x) along dim=1
    norm = jnp.sqrt(jnp.sum(x * x, axis=1, keepdims=True))
    return x / jnp.maximum(norm, eps)


def reference(x, edge_index, W1, W2):
    # SSD.forward with residual_type=None, use_ss_loss=False, 2 GNN (GCN) layers,
    # act=relu, dropout in eval mode (identity). Returns final node embeddings
    # (the `x` element of the module's output list; hs is empty, adj is the
    # sparse adjacency built from edge_index).
    n = x.shape[0]
    src = edge_index[0]
    dst = edge_index[1]
    # layer 1
    h = _gcn_agg(x, src, dst, n) @ W1
    h = jax.nn.relu(h)
    h = _l2_normalize(h)
    # layer 2 (last layer: no act/normalize, loop breaks)
    out = _gcn_agg(h, src, dst, n) @ W2
    return out


if False:  # reference __main__ guard neutralized (emitter)
    inp = setup_inputs()
    o = reference(**inp)
    print(o.shape, o.dtype)

if __name__ == "__main__":
    import jax
    _d = setup_inputs()
    print(jax.jit(kernel)(*tuple(_d.values())))

</pallas_src>

<mosaic_0001>
#map = affine_map<(d0, d1) -> (0, 0)>
#map1 = affine_map<(d0, d1) -> (0)>
#map2 = affine_map<(d0, d1) -> (0, 0, 0)>
module attributes {stable_mosaic.version = 14 : i64} {
  func.func @_agg_body(%arg0: i32, %arg1: i32, %arg2: memref<10240x128xf32, #tpu.memory_space<hbm>>, %arg3: memref<327680xi32, #tpu.memory_space<hbm>>, %arg4: memref<327680xi32, #tpu.memory_space<hbm>>, %arg5: memref<2x10240x128xf32, #tpu.memory_space<hbm>>, %arg6: memref<128xi32, #tpu.memory_space<vmem>>, %arg7: memref<128xi32, #tpu.memory_space<vmem>>, %arg8: memref<128x128xf32, #tpu.memory_space<vmem>>, %arg9: memref<10240x128xf32, #tpu.memory_space<vmem_shared>>, %arg10: memref<!tpu.dma_semaphore, #tpu.memory_space<semaphore_mem>>) attributes {dimension_semantics = [#tpu.dimension_semantics<core_parallel>, #tpu.dimension_semantics<subcore_parallel>], iteration_bounds = array<i64: 2, 16>, scalar_prefetch = 0 : i64, scratch_operands = 5 : i64, tpu.core_type = #tpu.core_type<sc_vector_subcore>, window_params = [{transform_indices = #map}, {transform_indices = #map1}, {transform_indices = #map1}, {transform_indices = #map2}]} {
    %mul3A = arith.constant 2 : i32
    %mul3A_0 = arith.muli %arg1, %mul3A : i32
    %add3A = arith.addi %mul3A_0, %arg0 : i32
    %broadcast_in_dim3A = arith.constant 0.000000e+00 : f32
    %broadcast_in_dim3A_1 = vector.broadcast %broadcast_in_dim3A : f32 to vector<16xf32>
    %scan3A = arith.constant 0 : i32
    %scan3A_2 = arith.constant 128 : i32
    %scan3A_3 = arith.addi %scan3A, %scan3A_2 : i32
    %scan3A_4 = arith.constant 1 : i32
    scf.for %scan3A_36 = %scan3A to %scan3A_3 step %scan3A_4  : i32 {
      %mul3A_37 = arith.constant 1 : i32
      %mul3A_38 = arith.muli %scan3A_36, %mul3A_37 : i32
      %add3A_39 = arith.constant 0 : i32
      %add3A_40 = arith.addi %add3A_39, %mul3A_38 : i32
      %swap3A = arith.index_cast %add3A_40 : i32 to index
      %swap3A_41 = arith.constant 0 : index
      %swap3A_42 = tpu.vector_load %arg8[%swap3A, %swap3A_41] {strides = array<i32>} : memref<128x128xf32, #tpu.memory_space<vmem>>, vector<16xf32>,
      tpu.vector_store %arg8[%swap3A, %swap3A_41], %broadcast_in_dim3A_1 {strides = array<i32>} : memref<128x128xf32, #tpu.memory_space<vmem>>, vector<16xf32>,
      %swap3A_43 = arith.index_cast %add3A_40 : i32 to index
      %swap3A_44 = arith.constant 16 : index
      %swap3A_45 = tpu.vector_load %arg8[%swap3A_43, %swap3A_44] {strides = array<i32>} : memref<128x128xf32, #tpu.memory_space<vmem>>, vector<16xf32>,
      tpu.vector_store %arg8[%swap3A_43, %swap3A_44], %broadcast_in_dim3A_1 {strides = array<i32>} : memref<128x128xf32, #tpu.memory_space<vmem>>, vector<16xf32>,
      %swap3A_46 = arith.index_cast %add3A_40 : i32 to index
      %swap3A_47 = arith.constant 32 : index
      %swap3A_48 = tpu.vector_load %arg8[%swap3A_46, %swap3A_47] {strides = array<i32>} : memref<128x128xf32, #tpu.memory_space<vmem>>, vector<16xf32>,
      tpu.vector_store %arg8[%swap3A_46, %swap3A_47], %broadcast_in_dim3A_1 {strides = array<i32>} : memref<128x128xf32, #tpu.memory_space<vmem>>, vector<16xf32>,
      %swap3A_49 = arith.index_cast %add3A_40 : i32 to index
      %swap3A_50 = arith.constant 48 : index
      %swap3A_51 = tpu.vector_load %arg8[%swap3A_49, %swap3A_50] {strides = array<i32>} : memref<128x128xf32, #tpu.memory_space<vmem>>, vector<16xf32>,
      tpu.vector_store %arg8[%swap3A_49, %swap3A_50], %broadcast_in_dim3A_1 {strides = array<i32>} : memref<128x128xf32, #tpu.memory_space<vmem>>, vector<16xf32>,
      %swap3A_52 = arith.index_cast %add3A_40 : i32 to index
      %swap3A_53 = arith.constant 64 : index
      %swap3A_54 = tpu.vector_load %arg8[%swap3A_52, %swap3A_53] {strides = array<i32>} : memref<128x128xf32, #tpu.memory_space<vmem>>, vector<16xf32>,
      tpu.vector_store %arg8[%swap3A_52, %swap3A_53], %broadcast_in_dim3A_1 {strides = array<i32>} : memref<128x128xf32, #tpu.memory_space<vmem>>, vector<16xf32>,
      %swap3A_55 = arith.index_cast %add3A_40 : i32 to index
      %swap3A_56 = arith.constant 80 : index
      %swap3A_57 = tpu.vector_load %arg8[%swap3A_55, %swap3A_56] {strides = array<i32>} : memref<128x128xf32, #tpu.memory_space<vmem>>, vector<16xf32>,
      tpu.vector_store %arg8[%swap3A_55, %swap3A_56], %broadcast_in_dim3A_1 {strides = array<i32>} : memref<128x128xf32, #tpu.memory_space<vmem>>, vector<16xf32>,
      %swap3A_58 = arith.index_cast %add3A_40 : i32 to index
      %swap3A_59 = arith.constant 96 : index
      %swap3A_60 = tpu.vector_load %arg8[%swap3A_58, %swap3A_59] {strides = array<i32>} : memref<128x128xf32, #tpu.memory_space<vmem>>, vector<16xf32>,
      tpu.vector_store %arg8[%swap3A_58, %swap3A_59], %broadcast_in_dim3A_1 {strides = array<i32>} : memref<128x128xf32, #tpu.memory_space<vmem>>, vector<16xf32>,
      %swap3A_61 = arith.index_cast %add3A_40 : i32 to index
      %swap3A_62 = arith.constant 112 : index
      %swap3A_63 = tpu.vector_load %arg8[%swap3A_61, %swap3A_62] {strides = array<i32>} : memref<128x128xf32, #tpu.memory_space<vmem>>, vector<16xf32>,
      tpu.vector_store %arg8[%swap3A_61, %swap3A_62], %broadcast_in_dim3A_1 {strides = array<i32>} : memref<128x128xf32, #tpu.memory_space<vmem>>, vector<16xf32>,
    }
    %scan3A_5 = arith.constant 128 : i32
    %mul3A_6 = arith.constant 640 : i32
    %mul3A_7 = arith.muli %arg1, %mul3A_6 : i32
    %add3A_8 = arith.constant 0 : i32
    %add3A_9 = arith.addi %mul3A_7, %add3A_8 : i32
    "tpu.region"() ({
      %run_scoped3A = tpu.sem_alloc : memref<!tpu.dma_semaphore, #tpu.memory_space<semaphore_mem>>
      %dma_start3A = arith.constant 0 : i32
      %dma_start3A_36 = tpu.memref_slice %arg9[%add3A_9, %dma_start3A] : memref<10240x128xf32, #tpu.memory_space<vmem_shared>> -> memref<128x128xf32, #tpu.memory_space<vmem_shared>>
      %dma_start3A_37 = arith.constant 0 : i32
      %dma_start3A_38 = tpu.memref_slice %arg9[%add3A_9, %dma_start3A_37] : memref<10240x128xf32, #tpu.memory_space<vmem_shared>> -> memref<128x128xf32, #tpu.memory_space<vmem_shared>>
      tpu.enqueue_dma source(%arg8 : memref<128x128xf32, #tpu.memory_space<vmem>>) target(%dma_start3A_38 : memref<128x128xf32, #tpu.memory_space<vmem_shared>>) target_semaphore(%run_scoped3A : memref<!tpu.dma_semaphore, #tpu.memory_space<semaphore_mem>>)
      %dma_wait3A = arith.constant 0 : i32
      %dma_wait3A_39 = tpu.memref_slice %arg9[%add3A_9, %dma_wait3A] : memref<10240x128xf32, #tpu.memory_space<vmem_shared>> -> memref<128x128xf32, #tpu.memory_space<vmem_shared>>
      %dma_wait3A_40 = arith.constant 0 : i32
      %dma_wait3A_41 = tpu.memref_slice %arg9[%add3A_9, %dma_wait3A_40] : memref<10240x128xf32, #tpu.memory_space<vmem_shared>> -> memref<128x128xf32, #tpu.memory_space<vmem_shared>>
      tpu.wait_dma2 semaphore(%run_scoped3A : memref<!tpu.dma_semaphore, #tpu.memory_space<semaphore_mem>>) src(%arg8 : memref<128x128xf32, #tpu.memory_space<vmem>>) dst(%dma_wait3A_41 : memref<128x128xf32, #tpu.memory_space<vmem_shared>>)
      tpu.yield
    }) : () -> ()
    %mul3A_10 = arith.constant 640 : i32
    %mul3A_11 = arith.muli %arg1, %mul3A_10 : i32
    %add3A_12 = arith.constant 128 : i32
    %add3A_13 = arith.addi %mul3A_11, %add3A_12 : i32
    "tpu.region"() ({
      %run_scoped3A = tpu.sem_alloc : memref<!tpu.dma_semaphore, #tpu.memory_space<semaphore_mem>>
      %dma_start3A = arith.constant 0 : i32
      %dma_start3A_36 = tpu.memref_slice %arg9[%add3A_13, %dma_start3A] : memref<10240x128xf32, #tpu.memory_space<vmem_shared>> -> memref<128x128xf32, #tpu.memory_space<vmem_shared>>
      %dma_start3A_37 = arith.constant 0 : i32
      %dma_start3A_38 = tpu.memref_slice %arg9[%add3A_13, %dma_start3A_37] : memref<10240x128xf32, #tpu.memory_space<vmem_shared>> -> memref<128x128xf32, #tpu.memory_space<vmem_shared>>
      tpu.enqueue_dma source(%arg8 : memref<128x128xf32, #tpu.memory_space<vmem>>) target(%dma_start3A_38 : memref<128x128xf32, #tpu.memory_space<vmem_shared>>) target_semaphore(%run_scoped3A : memref<!tpu.dma_semaphore, #tpu.memory_space<semaphore_mem>>)
      %dma_wait3A = arith.constant 0 : i32
      %dma_wait3A_39 = tpu.memref_slice %arg9[%add3A_13, %dma_wait3A] : memref<10240x128xf32, #tpu.memory_space<vmem_shared>> -> memref<128x128xf32, #tpu.memory_space<vmem_shared>>
      %dma_wait3A_40 = arith.constant 0 : i32
      %dma_wait3A_41 = tpu.memref_slice %arg9[%add3A_13, %dma_wait3A_40] : memref<10240x128xf32, #tpu.memory_space<vmem_shared>> -> memref<128x128xf32, #tpu.memory_space<vmem_shared>>
      tpu.wait_dma2 semaphore(%run_scoped3A : memref<!tpu.dma_semaphore, #tpu.memory_space<semaphore_mem>>) src(%arg8 : memref<128x128xf32, #tpu.memory_space<vmem>>) dst(%dma_wait3A_41 : memref<128x128xf32, #tpu.memory_space<vmem_shared>>)
      tpu.yield
    }) : () -> ()
    %mul3A_14 = arith.constant 640 : i32
    %mul3A_15 = arith.muli %arg1, %mul3A_14 : i32
    %add3A_16 = arith.constant 256 : i32
    %add3A_17 = arith.addi %mul3A_15, %add3A_16 : i32
    "tpu.region"() ({
      %run_scoped3A = tpu.sem_alloc : memref<!tpu.dma_semaphore, #tpu.memory_space<semaphore_mem>>
      %dma_start3A = arith.constant 0 : i32
      %dma_start3A_36 = tpu.memref_slice %arg9[%add3A_17, %dma_start3A] : memref<10240x128xf32, #tpu.memory_space<vmem_shared>> -> memref<128x128xf32, #tpu.memory_space<vmem_shared>>
      %dma_start3A_37 = arith.constant 0 : i32
      %dma_start3A_38 = tpu.memref_slice %arg9[%add3A_17, %dma_start3A_37] : memref<10240x128xf32, #tpu.memory_space<vmem_shared>> -> memref<128x128xf32, #tpu.memory_space<vmem_shared>>
      tpu.enqueue_dma source(%arg8 : memref<128x128xf32, #tpu.memory_space<vmem>>) target(%dma_start3A_38 : memref<128x128xf32, #tpu.memory_space<vmem_shared>>) target_semaphore(%run_scoped3A : memref<!tpu.dma_semaphore, #tpu.memory_space<semaphore_mem>>)
      %dma_wait3A = arith.constant 0 : i32
      %dma_wait3A_39 = tpu.memref_slice %arg9[%add3A_17, %dma_wait3A] : memref<10240x128xf32, #tpu.memory_space<vmem_shared>> -> memref<128x128xf32, #tpu.memory_space<vmem_shared>>
      %dma_wait3A_40 = arith.constant 0 : i32
      %dma_wait3A_41 = tpu.memref_slice %arg9[%add3A_17, %dma_wait3A_40] : memref<10240x128xf32, #tpu.memory_space<vmem_shared>> -> memref<128x128xf32, #tpu.memory_space<vmem_shared>>
      tpu.wait_dma2 semaphore(%run_scoped3A : memref<!tpu.dma_semaphore, #tpu.memory_space<semaphore_mem>>) src(%arg8 : memref<128x128xf32, #tpu.memory_space<vmem>>) dst(%dma_wait3A_41 : memref<128x128xf32, #tpu.memory_space<vmem_shared>>)
      tpu.yield
    }) : () -> ()
    %mul3A_18 = arith.constant 640 : i32
    %mul3A_19 = arith.muli %arg1, %mul3A_18 : i32
    %add3A_20 = arith.constant 384 : i32
    %add3A_21 = arith.addi %mul3A_19, %add3A_20 : i32
    "tpu.region"() ({
      %run_scoped3A = tpu.sem_alloc : memref<!tpu.dma_semaphore, #tpu.memory_space<semaphore_mem>>
      %dma_start3A = arith.constant 0 : i32
      %dma_start3A_36 = tpu.memref_slice %arg9[%add3A_21, %dma_start3A] : memref<10240x128xf32, #tpu.memory_space<vmem_shared>> -> memref<128x128xf32, #tpu.memory_space<vmem_shared>>
      %dma_start3A_37 = arith.constant 0 : i32
      %dma_start3A_38 = tpu.memref_slice %arg9[%add3A_21, %dma_start3A_37] : memref<10240x128xf32, #tpu.memory_space<vmem_shared>> -> memref<128x128xf32, #tpu.memory_space<vmem_shared>>
      tpu.enqueue_dma source(%arg8 : memref<128x128xf32, #tpu.memory_space<vmem>>) target(%dma_start3A_38 : memref<128x128xf32, #tpu.memory_space<vmem_shared>>) target_semaphore(%run_scoped3A : memref<!tpu.dma_semaphore, #tpu.memory_space<semaphore_mem>>)
      %dma_wait3A = arith.constant 0 : i32
      %dma_wait3A_39 = tpu.memref_slice %arg9[%add3A_21, %dma_wait3A] : memref<10240x128xf32, #tpu.memory_space<vmem_shared>> -> memref<128x128xf32, #tpu.memory_space<vmem_shared>>
      %dma_wait3A_40 = arith.constant 0 : i32
      %dma_wait3A_41 = tpu.memref_slice %arg9[%add3A_21, %dma_wait3A_40] : memref<10240x128xf32, #tpu.memory_space<vmem_shared>> -> memref<128x128xf32, #tpu.memory_space<vmem_shared>>
      tpu.wait_dma2 semaphore(%run_scoped3A : memref<!tpu.dma_semaphore, #tpu.memory_space<semaphore_mem>>) src(%arg8 : memref<128x128xf32, #tpu.memory_space<vmem>>) dst(%dma_wait3A_41 : memref<128x128xf32, #tpu.memory_space<vmem_shared>>)
      tpu.yield
    }) : () -> ()
    %mul3A_22 = arith.constant 640 : i32
    %mul3A_23 = arith.muli %arg1, %mul3A_22 : i32
    %add3A_24 = arith.constant 512 : i32
    %add3A_25 = arith.addi %mul3A_23, %add3A_24 : i32
    "tpu.region"() ({
      %run_scoped3A = tpu.sem_alloc : memref<!tpu.dma_semaphore, #tpu.memory_space<semaphore_mem>>
      %dma_start3A = arith.constant 0 : i32
      %dma_start3A_36 = tpu.memref_slice %arg9[%add3A_25, %dma_start3A] : memref<10240x128xf32, #tpu.memory_space<vmem_shared>> -> memref<128x128xf32, #tpu.memory_space<vmem_shared>>
      %dma_start3A_37 = arith.constant 0 : i32
      %dma_start3A_38 = tpu.memref_slice %arg9[%add3A_25, %dma_start3A_37] : memref<10240x128xf32, #tpu.memory_space<vmem_shared>> -> memref<128x128xf32, #tpu.memory_space<vmem_shared>>
      tpu.enqueue_dma source(%arg8 : memref<128x128xf32, #tpu.memory_space<vmem>>) target(%dma_start3A_38 : memref<128x128xf32, #tpu.memory_space<vmem_shared>>) target_semaphore(%run_scoped3A : memref<!tpu.dma_semaphore, #tpu.memory_space<semaphore_mem>>)
      %dma_wait3A = arith.constant 0 : i32
      %dma_wait3A_39 = tpu.memref_slice %arg9[%add3A_25, %dma_wait3A] : memref<10240x128xf32, #tpu.memory_space<vmem_shared>> -> memref<128x128xf32, #tpu.memory_space<vmem_shared>>
      %dma_wait3A_40 = arith.constant 0 : i32
      %dma_wait3A_41 = tpu.memref_slice %arg9[%add3A_25, %dma_wait3A_40] : memref<10240x128xf32, #tpu.memory_space<vmem_shared>> -> memref<128x128xf32, #tpu.memory_space<vmem_shared>>
      tpu.wait_dma2 semaphore(%run_scoped3A : memref<!tpu.dma_semaphore, #tpu.memory_space<semaphore_mem>>) src(%arg8 : memref<128x128xf32, #tpu.memory_space<vmem>>) dst(%dma_wait3A_41 : memref<128x128xf32, #tpu.memory_space<vmem_shared>>)
      tpu.yield
    }) : () -> ()
    %barrier3A = arith.constant 0 : index
    tpu.barrier barrier_id(%barrier3A)
    %scan3A_26 = arith.constant 0 : i32
    %scan3A_27 = arith.constant 80 : i32
    %scan3A_28 = arith.addi %scan3A_26, %scan3A_27 : i32
    %scan3A_29 = arith.constant 1 : i32
    scf.for %scan3A_36 = %scan3A_26 to %scan3A_28 step %scan3A_29  : i32 {
      %mul3A_37 = arith.constant 1 : i32
      %mul3A_38 = arith.muli %scan3A_36, %mul3A_37 : i32
      %add3A_39 = arith.constant 0 : i32
      %add3A_40 = arith.addi %add3A_39, %mul3A_38 : i32
      %mul3A_41 = arith.constant 10240 : i32
      %mul3A_42 = arith.muli %add3A, %mul3A_41 : i32
      %mul3A_43 = arith.constant 128 : i32
      %mul3A_44 = arith.muli %add3A_40, %mul3A_43 : i32
      %add3A_45 = arith.addi %mul3A_42, %mul3A_44 : i32
      "tpu.region"() ({
        %run_scoped3A = tpu.sem_alloc : memref<!tpu.dma_semaphore, #tpu.memory_space<semaphore_mem>>
        %dma_start3A_50 = tpu.memref_slice %arg3[%add3A_45] : memref<327680xi32, #tpu.memory_space<hbm>> -> memref<128xi32, #tpu.memory_space<hbm>>
        %dma_start3A_51 = tpu.memref_slice %arg3[%add3A_45] : memref<327680xi32, #tpu.memory_space<hbm>> -> memref<128xi32, #tpu.memory_space<hbm>>
        tpu.enqueue_dma source(%dma_start3A_51 : memref<128xi32, #tpu.memory_space<hbm>>) target(%arg6 : memref<128xi32, #tpu.memory_space<vmem>>) target_semaphore(%run_scoped3A : memref<!tpu.dma_semaphore, #tpu.memory_space<semaphore_mem>>)
        %dma_wait3A_52 = tpu.memref_slice %arg3[%add3A_45] : memref<327680xi32, #tpu.memory_space<hbm>> -> memref<128xi32, #tpu.memory_space<hbm>>
        %dma_wait3A_53 = tpu.memref_slice %arg3[%add3A_45] : memref<327680xi32, #tpu.memory_space<hbm>> -> memref<128xi32, #tpu.memory_space<hbm>>
        tpu.wait_dma2 semaphore(%run_scoped3A : memref<!tpu.dma_semaphore, #tpu.memory_space<semaphore_mem>>) src(%dma_wait3A_53 : memref<128xi32, #tpu.memory_space<hbm>>) dst(%arg6 : memref<128xi32, #tpu.memory_space<vmem>>)
        tpu.yield
      }) : () -> ()
      "tpu.region"() ({
        %run_scoped3A = tpu.sem_alloc : memref<!tpu.dma_semaphore, #tpu.memory_space<semaphore_mem>>
        %dma_start3A_50 = tpu.memref_slice %arg4[%add3A_45] : memref<327680xi32, #tpu.memory_space<hbm>> -> memref<128xi32, #tpu.memory_space<hbm>>
        %dma_start3A_51 = tpu.memref_slice %arg4[%add3A_45] : memref<327680xi32, #tpu.memory_space<hbm>> -> memref<128xi32, #tpu.memory_space<hbm>>
        tpu.enqueue_dma source(%dma_start3A_51 : memref<128xi32, #tpu.memory_space<hbm>>) target(%arg7 : memref<128xi32, #tpu.memory_space<vmem>>) target_semaphore(%run_scoped3A : memref<!tpu.dma_semaphore, #tpu.memory_space<semaphore_mem>>)
        %dma_wait3A_52 = tpu.memref_slice %arg4[%add3A_45] : memref<327680xi32, #tpu.memory_space<hbm>> -> memref<128xi32, #tpu.memory_space<hbm>>
        %dma_wait3A_53 = tpu.memref_slice %arg4[%add3A_45] : memref<327680xi32, #tpu.memory_space<hbm>> -> memref<128xi32, #tpu.memory_space<hbm>>
        tpu.wait_dma2 semaphore(%run_scoped3A : memref<!tpu.dma_semaphore, #tpu.memory_space<semaphore_mem>>) src(%dma_wait3A_53 : memref<128xi32, #tpu.memory_space<hbm>>) dst(%arg7 : memref<128xi32, #tpu.memory_space<vmem>>)
        tpu.yield
      }) : () -> ()
      %dma_start3A = arith.constant 0 : i32
      %dma_start3A_46 = arith.constant 0 : i32
      %dma_start3A_47 = tpu.memref_slice %arg2[%dma_start3A, %dma_start3A_46] : memref<10240x128xf32, #tpu.memory_space<hbm>> -> memref<10240x128xf32, #tpu.memory_space<hbm>>
      tpu.enqueue_indirect_dma source(%dma_start3A_47 : memref<10240x128xf32, #tpu.memory_space<hbm>>) target(%arg8 : memref<128x128xf32, #tpu.memory_space<vmem>>) offsets(%arg6 : memref<128xi32, #tpu.memory_space<vmem>>) semaphore(%arg10 : memref<!tpu.dma_semaphore, #tpu.memory_space<semaphore_mem>>)
      %dma_wait3A = arith.constant 0 : i32
      %dma_wait3A_48 = arith.constant 0 : i32
      %dma_wait3A_49 = tpu.memref_slice %arg2[%dma_wait3A, %dma_wait3A_48] : memref<10240x128xf32, #tpu.memory_space<hbm>> -> memref<10240x128xf32, #tpu.memory_space<hbm>>
      tpu.wait_indirect_dma semaphore(%arg10 : memref<!tpu.dma_semaphore, #tpu.memory_space<semaphore_mem>>) src(%dma_wait3A_49 : memref<10240x128xf32, #tpu.memory_space<hbm>>) dst(%arg8 : memref<128x128xf32, #tpu.memory_space<vmem>>)
      "tpu.region"() ({
        %run_scoped3A = tpu.sem_alloc : memref<!tpu.dma_semaphore, #tpu.memory_space<semaphore_mem>>
        %dma_start3A_50 = arith.constant 0 : i32
        %dma_start3A_51 = arith.constant 0 : i32
        %dma_start3A_52 = tpu.memref_slice %arg9[%dma_start3A_50, %dma_start3A_51] : memref<10240x128xf32, #tpu.memory_space<vmem_shared>> -> memref<10240x128xf32, #tpu.memory_space<vmem_shared>>
        tpu.enqueue_indirect_dma source(%arg8 : memref<128x128xf32, #tpu.memory_space<vmem>>) target(%dma_start3A_52 : memref<10240x128xf32, #tpu.memory_space<vmem_shared>>) offsets(%arg7 : memref<128xi32, #tpu.memory_space<vmem>>) semaphore(%run_scoped3A : memref<!tpu.dma_semaphore, #tpu.memory_space<semaphore_mem>>) {add = true}
        %dma_wait3A_53 = arith.constant 0 : i32
        %dma_wait3A_54 = arith.constant 0 : i32
        %dma_wait3A_55 = tpu.memref_slice %arg9[%dma_wait3A_53, %dma_wait3A_54] : memref<10240x128xf32, #tpu.memory_space<vmem_shared>> -> memref<10240x128xf32, #tpu.memory_space<vmem_shared>>
        tpu.wait_indirect_dma semaphore(%run_scoped3A : memref<!tpu.dma_semaphore, #tpu.memory_space<semaphore_mem>>) src(%arg8 : memref<128x128xf32, #tpu.memory_space<vmem>>) dst(%dma_wait3A_55 : memref<10240x128xf32, #tpu.memory_space<vmem_shared>>)
        tpu.yield
      }) : () -> ()
    }
    %scan3A_30 = arith.constant 80 : i32
    %barrier3A_31 = arith.constant 0 : index
    tpu.barrier barrier_id(%barrier3A_31)
    %mul3A_32 = arith.constant 640 : i32
    %mul3A_33 = arith.muli %arg1, %mul3A_32 : i32
    %mul3A_34 = arith.constant 640 : i32
    %mul3A_35 = arith.muli %arg1, %mul3A_34 : i32
    "tpu.region"() ({
      %run_scoped3A = tpu.sem_alloc : memref<!tpu.dma_semaphore, #tpu.memory_space<semaphore_mem>>
      %dma_start3A = arith.constant 0 : i32
      %dma_start3A_36 = arith.constant 0 : i32
      %dma_start3A_37 = tpu.memref_slice %arg5[%arg0, %dma_start3A, %dma_start3A_36] : memref<2x10240x128xf32, #tpu.memory_space<hbm>> -> memref<1x10240x128xf32, #tpu.memory_space<hbm>>
      %dma_start3A_38 = tpu.memref_squeeze %dma_start3A_37 : memref<1x10240x128xf32, #tpu.memory_space<hbm>> -> memref<10240x128xf32, #tpu.memory_space<hbm>>
      %dma_start3A_39 = arith.constant 0 : i32
      %dma_start3A_40 = tpu.memref_slice %dma_start3A_38[%mul3A_35, %dma_start3A_39] : memref<10240x128xf32, #tpu.memory_space<hbm>> -> memref<640x128xf32, #tpu.memory_space<hbm>>
      %dma_start3A_41 = arith.constant 0 : i32
      %dma_start3A_42 = tpu.memref_slice %arg9[%mul3A_33, %dma_start3A_41] : memref<10240x128xf32, #tpu.memory_space<vmem_shared>> -> memref<640x128xf32, #tpu.memory_space<vmem_shared>>
      tpu.enqueue_dma source(%dma_start3A_42 : memref<640x128xf32, #tpu.memory_space<vmem_shared>>) target(%dma_start3A_40 : memref<640x128xf32, #tpu.memory_space<hbm>>) target_semaphore(%run_scoped3A : memref<!tpu.dma_semaphore, #tpu.memory_space<semaphore_mem>>)
      %dma_wait3A = arith.constant 0 : i32
      %dma_wait3A_43 = arith.constant 0 : i32
      %dma_wait3A_44 = tpu.memref_slice %arg5[%arg0, %dma_wait3A, %dma_wait3A_43] : memref<2x10240x128xf32, #tpu.memory_space<hbm>> -> memref<1x10240x128xf32, #tpu.memory_space<hbm>>
      %dma_wait3A_45 = tpu.memref_squeeze %dma_wait3A_44 : memref<1x10240x128xf32, #tpu.memory_space<hbm>> -> memref<10240x128xf32, #tpu.memory_space<hbm>>
      %dma_wait3A_46 = arith.constant 0 : i32
      %dma_wait3A_47 = tpu.memref_slice %dma_wait3A_45[%mul3A_35, %dma_wait3A_46] : memref<10240x128xf32, #tpu.memory_space<hbm>> -> memref<640x128xf32, #tpu.memory_space<hbm>>
      %dma_wait3A_48 = arith.constant 0 : i32
      %dma_wait3A_49 = tpu.memref_slice %arg9[%mul3A_33, %dma_wait3A_48] : memref<10240x128xf32, #tpu.memory_space<vmem_shared>> -> memref<640x128xf32, #tpu.memory_space<vmem_shared>>
      tpu.wait_dma2 semaphore(%run_scoped3A : memref<!tpu.dma_semaphore, #tpu.memory_space<semaphore_mem>>) src(%dma_wait3A_49 : memref<640x128xf32, #tpu.memory_space<vmem_shared>>) dst(%dma_wait3A_47 : memref<640x128xf32, #tpu.memory_space<hbm>>)
      tpu.yield
    }) : () -> ()
    return
  }
}

#map = affine_map<(d0, d1) -> (0, 0)>
#map1 = affine_map<(d0, d1) -> (0)>
#map2 = affine_map<(d0, d1) -> (0, 0, 0)>
module attributes {stable_mosaic.version = 14 : i64} {
  func.func @_agg_body(%arg0: i32, %arg1: i32, %arg2: memref<10240x128xf32, #tpu.memory_space<hbm>>, %arg3: memref<327680xi32, #tpu.memory_space<hbm>>, %arg4: memref<327680xi32, #tpu.memory_space<hbm>>, %arg5: memref<2x10240x128xf32, #tpu.memory_space<hbm>>, %arg6: memref<128xi32, #tpu.memory_space<vmem>>, %arg7: memref<128xi32, #tpu.memory_space<vmem>>, %arg8: memref<128x128xf32, #tpu.memory_space<vmem>>, %arg9: memref<10240x128xf32, #tpu.memory_space<vmem_shared>>, %arg10: memref<!tpu.dma_semaphore, #tpu.memory_space<semaphore_mem>>) attributes {dimension_semantics = [#tpu.dimension_semantics<core_parallel>, #tpu.dimension_semantics<subcore_parallel>], iteration_bounds = array<i64: 2, 16>, scalar_prefetch = 0 : i64, scratch_operands = 5 : i64, tpu.core_type = #tpu.core_type<sc_vector_subcore>, window_params = [{transform_indices = #map}, {transform_indices = #map1}, {transform_indices = #map1}, {transform_indices = #map2}]} {
    %mul3A = arith.constant 2 : i32
    %mul3A_0 = arith.muli %arg1, %mul3A : i32
    %add3A = arith.addi %mul3A_0, %arg0 : i32
    %broadcast_in_dim3A = arith.constant 0.000000e+00 : f32
    %broadcast_in_dim3A_1 = vector.broadcast %broadcast_in_dim3A : f32 to vector<16xf32>
    %scan3A = arith.constant 0 : i32
    %scan3A_2 = arith.constant 128 : i32
    %scan3A_3 = arith.addi %scan3A, %scan3A_2 : i32
    %scan3A_4 = arith.constant 1 : i32
    scf.for %scan3A_36 = %scan3A to %scan3A_3 step %scan3A_4  : i32 {
      %mul3A_37 = arith.constant 1 : i32
      %mul3A_38 = arith.muli %scan3A_36, %mul3A_37 : i32
      %add3A_39 = arith.constant 0 : i32
      %add3A_40 = arith.addi %add3A_39, %mul3A_38 : i32
      %swap3A = arith.index_cast %add3A_40 : i32 to index
      %swap3A_41 = arith.constant 0 : index
      %swap3A_42 = tpu.vector_load %arg8[%swap3A, %swap3A_41] {strides = array<i32>} : memref<128x128xf32, #tpu.memory_space<vmem>>, vector<16xf32>,
      tpu.vector_store %arg8[%swap3A, %swap3A_41], %broadcast_in_dim3A_1 {strides = array<i32>} : memref<128x128xf32, #tpu.memory_space<vmem>>, vector<16xf32>,
      %swap3A_43 = arith.index_cast %add3A_40 : i32 to index
      %swap3A_44 = arith.constant 16 : index
      %swap3A_45 = tpu.vector_load %arg8[%swap3A_43, %swap3A_44] {strides = array<i32>} : memref<128x128xf32, #tpu.memory_space<vmem>>, vector<16xf32>,
      tpu.vector_store %arg8[%swap3A_43, %swap3A_44], %broadcast_in_dim3A_1 {strides = array<i32>} : memref<128x128xf32, #tpu.memory_space<vmem>>, vector<16xf32>,
      %swap3A_46 = arith.index_cast %add3A_40 : i32 to index
      %swap3A_47 = arith.constant 32 : index
      %swap3A_48 = tpu.vector_load %arg8[%swap3A_46, %swap3A_47] {strides = array<i32>} : memref<128x128xf32, #tpu.memory_space<vmem>>, vector<16xf32>,
      tpu.vector_store %arg8[%swap3A_46, %swap3A_47], %broadcast_in_dim3A_1 {strides = array<i32>} : memref<128x128xf32, #tpu.memory_space<vmem>>, vector<16xf32>,
      %swap3A_49 = arith.index_cast %add3A_40 : i32 to index
      %swap3A_50 = arith.constant 48 : index
      %swap3A_51 = tpu.vector_load %arg8[%swap3A_49, %swap3A_50] {strides = array<i32>} : memref<128x128xf32, #tpu.memory_space<vmem>>, vector<16xf32>,
      tpu.vector_store %arg8[%swap3A_49, %swap3A_50], %broadcast_in_dim3A_1 {strides = array<i32>} : memref<128x128xf32, #tpu.memory_space<vmem>>, vector<16xf32>,
      %swap3A_52 = arith.index_cast %add3A_40 : i32 to index
      %swap3A_53 = arith.constant 64 : index
      %swap3A_54 = tpu.vector_load %arg8[%swap3A_52, %swap3A_53] {strides = array<i32>} : memref<128x128xf32, #tpu.memory_space<vmem>>, vector<16xf32>,
      tpu.vector_store %arg8[%swap3A_52, %swap3A_53], %broadcast_in_dim3A_1 {strides = array<i32>} : memref<128x128xf32, #tpu.memory_space<vmem>>, vector<16xf32>,
      %swap3A_55 = arith.index_cast %add3A_40 : i32 to index
      %swap3A_56 = arith.constant 80 : index
      %swap3A_57 = tpu.vector_load %arg8[%swap3A_55, %swap3A_56] {strides = array<i32>} : memref<128x128xf32, #tpu.memory_space<vmem>>, vector<16xf32>,
      tpu.vector_store %arg8[%swap3A_55, %swap3A_56], %broadcast_in_dim3A_1 {strides = array<i32>} : memref<128x128xf32, #tpu.memory_space<vmem>>, vector<16xf32>,
      %swap3A_58 = arith.index_cast %add3A_40 : i32 to index
      %swap3A_59 = arith.constant 96 : index
      %swap3A_60 = tpu.vector_load %arg8[%swap3A_58, %swap3A_59] {strides = array<i32>} : memref<128x128xf32, #tpu.memory_space<vmem>>, vector<16xf32>,
      tpu.vector_store %arg8[%swap3A_58, %swap3A_59], %broadcast_in_dim3A_1 {strides = array<i32>} : memref<128x128xf32, #tpu.memory_space<vmem>>, vector<16xf32>,
      %swap3A_61 = arith.index_cast %add3A_40 : i32 to index
      %swap3A_62 = arith.constant 112 : index
      %swap3A_63 = tpu.vector_load %arg8[%swap3A_61, %swap3A_62] {strides = array<i32>} : memref<128x128xf32, #tpu.memory_space<vmem>>, vector<16xf32>,
      tpu.vector_store %arg8[%swap3A_61, %swap3A_62], %broadcast_in_dim3A_1 {strides = array<i32>} : memref<128x128xf32, #tpu.memory_space<vmem>>, vector<16xf32>,
    }
    %scan3A_5 = arith.constant 128 : i32
    %mul3A_6 = arith.constant 640 : i32
    %mul3A_7 = arith.muli %arg1, %mul3A_6 : i32
    %add3A_8 = arith.constant 0 : i32
    %add3A_9 = arith.addi %mul3A_7, %add3A_8 : i32
    "tpu.region"() ({
      %run_scoped3A = tpu.sem_alloc : memref<!tpu.dma_semaphore, #tpu.memory_space<semaphore_mem>>
      %dma_start3A = arith.constant 0 : i32
      %dma_start3A_36 = tpu.memref_slice %arg9[%add3A_9, %dma_start3A] : memref<10240x128xf32, #tpu.memory_space<vmem_shared>> -> memref<128x128xf32, #tpu.memory_space<vmem_shared>>
      %dma_start3A_37 = arith.constant 0 : i32
      %dma_start3A_38 = tpu.memref_slice %arg9[%add3A_9, %dma_start3A_37] : memref<10240x128xf32, #tpu.memory_space<vmem_shared>> -> memref<128x128xf32, #tpu.memory_space<vmem_shared>>
      tpu.enqueue_dma source(%arg8 : memref<128x128xf32, #tpu.memory_space<vmem>>) target(%dma_start3A_38 : memref<128x128xf32, #tpu.memory_space<vmem_shared>>) target_semaphore(%run_scoped3A : memref<!tpu.dma_semaphore, #tpu.memory_space<semaphore_mem>>)
      %dma_wait3A = arith.constant 0 : i32
      %dma_wait3A_39 = tpu.memref_slice %arg9[%add3A_9, %dma_wait3A] : memref<10240x128xf32, #tpu.memory_space<vmem_shared>> -> memref<128x128xf32, #tpu.memory_space<vmem_shared>>
      %dma_wait3A_40 = arith.constant 0 : i32
      %dma_wait3A_41 = tpu.memref_slice %arg9[%add3A_9, %dma_wait3A_40] : memref<10240x128xf32, #tpu.memory_space<vmem_shared>> -> memref<128x128xf32, #tpu.memory_space<vmem_shared>>
      tpu.wait_dma2 semaphore(%run_scoped3A : memref<!tpu.dma_semaphore, #tpu.memory_space<semaphore_mem>>) src(%arg8 : memref<128x128xf32, #tpu.memory_space<vmem>>) dst(%dma_wait3A_41 : memref<128x128xf32, #tpu.memory_space<vmem_shared>>)
      tpu.yield
    }) : () -> ()
    %mul3A_10 = arith.constant 640 : i32
    %mul3A_11 = arith.muli %arg1, %mul3A_10 : i32
    %add3A_12 = arith.constant 128 : i32
    %add3A_13 = arith.addi %mul3A_11, %add3A_12 : i32
    "tpu.region"() ({
      %run_scoped3A = tpu.sem_alloc : memref<!tpu.dma_semaphore, #tpu.memory_space<semaphore_mem>>
      %dma_start3A = arith.constant 0 : i32
      %dma_start3A_36 = tpu.memref_slice %arg9[%add3A_13, %dma_start3A] : memref<10240x128xf32, #tpu.memory_space<vmem_shared>> -> memref<128x128xf32, #tpu.memory_space<vmem_shared>>
      %dma_start3A_37 = arith.constant 0 : i32
      %dma_start3A_38 = tpu.memref_slice %arg9[%add3A_13, %dma_start3A_37] : memref<10240x128xf32, #tpu.memory_space<vmem_shared>> -> memref<128x128xf32, #tpu.memory_space<vmem_shared>>
      tpu.enqueue_dma source(%arg8 : memref<128x128xf32, #tpu.memory_space<vmem>>) target(%dma_start3A_38 : memref<128x128xf32, #tpu.memory_space<vmem_shared>>) target_semaphore(%run_scoped3A : memref<!tpu.dma_semaphore, #tpu.memory_space<semaphore_mem>>)
      %dma_wait3A = arith.constant 0 : i32
      %dma_wait3A_39 = tpu.memref_slice %arg9[%add3A_13, %dma_wait3A] : memref<10240x128xf32, #tpu.memory_space<vmem_shared>> -> memref<128x128xf32, #tpu.memory_space<vmem_shared>>
      %dma_wait3A_40 = arith.constant 0 : i32
      %dma_wait3A_41 = tpu.memref_slice %arg9[%add3A_13, %dma_wait3A_40] : memref<10240x128xf32, #tpu.memory_space<vmem_shared>> -> memref<128x128xf32, #tpu.memory_space<vmem_shared>>
      tpu.wait_dma2 semaphore(%run_scoped3A : memref<!tpu.dma_semaphore, #tpu.memory_space<semaphore_mem>>) src(%arg8 : memref<128x128xf32, #tpu.memory_space<vmem>>) dst(%dma_wait3A_41 : memref<128x128xf32, #tpu.memory_space<vmem_shared>>)
      tpu.yield
    }) : () -> ()
    %mul3A_14 = arith.constant 640 : i32
    %mul3A_15 = arith.muli %arg1, %mul3A_14 : i32
    %add3A_16 = arith.constant 256 : i32
    %add3A_17 = arith.addi %mul3A_15, %add3A_16 : i32
    "tpu.region"() ({
      %run_scoped3A = tpu.sem_alloc : memref<!tpu.dma_semaphore, #tpu.memory_space<semaphore_mem>>
      %dma_start3A = arith.constant 0 : i32
      %dma_start3A_36 = tpu.memref_slice %arg9[%add3A_17, %dma_start3A] : memref<10240x128xf32, #tpu.memory_space<vmem_shared>> -> memref<128x128xf32, #tpu.memory_space<vmem_shared>>
      %dma_start3A_37 = arith.constant 0 : i32
      %dma_start3A_38 = tpu.memref_slice %arg9[%add3A_17, %dma_start3A_37] : memref<10240x128xf32, #tpu.memory_space<vmem_shared>> -> memref<128x128xf32, #tpu.memory_space<vmem_shared>>
      tpu.enqueue_dma source(%arg8 : memref<128x128xf32, #tpu.memory_space<vmem>>) target(%dma_start3A_38 : memref<128x128xf32, #tpu.memory_space<vmem_shared>>) target_semaphore(%run_scoped3A : memref<!tpu.dma_semaphore, #tpu.memory_space<semaphore_mem>>)
      %dma_wait3A = arith.constant 0 : i32
      %dma_wait3A_39 = tpu.memref_slice %arg9[%add3A_17, %dma_wait3A] : memref<10240x128xf32, #tpu.memory_space<vmem_shared>> -> memref<128x128xf32, #tpu.memory_space<vmem_shared>>
      %dma_wait3A_40 = arith.constant 0 : i32
      %dma_wait3A_41 = tpu.memref_slice %arg9[%add3A_17, %dma_wait3A_40] : memref<10240x128xf32, #tpu.memory_space<vmem_shared>> -> memref<128x128xf32, #tpu.memory_space<vmem_shared>>
      tpu.wait_dma2 semaphore(%run_scoped3A : memref<!tpu.dma_semaphore, #tpu.memory_space<semaphore_mem>>) src(%arg8 : memref<128x128xf32, #tpu.memory_space<vmem>>) dst(%dma_wait3A_41 : memref<128x128xf32, #tpu.memory_space<vmem_shared>>)
      tpu.yield
    }) : () -> ()
    %mul3A_18 = arith.constant 640 : i32
    %mul3A_19 = arith.muli %arg1, %mul3A_18 : i32
    %add3A_20 = arith.constant 384 : i32
    %add3A_21 = arith.addi %mul3A_19, %add3A_20 : i32
    "tpu.region"() ({
      %run_scoped3A = tpu.sem_alloc : memref<!tpu.dma_semaphore, #tpu.memory_space<semaphore_mem>>
      %dma_start3A = arith.constant 0 : i32
      %dma_start3A_36 = tpu.memref_slice %arg9[%add3A_21, %dma_start3A] : memref<10240x128xf32, #tpu.memory_space<vmem_shared>> -> memref<128x128xf32, #tpu.memory_space<vmem_shared>>
      %dma_start3A_37 = arith.constant 0 : i32
      %dma_start3A_38 = tpu.memref_slice %arg9[%add3A_21, %dma_start3A_37] : memref<10240x128xf32, #tpu.memory_space<vmem_shared>> -> memref<128x128xf32, #tpu.memory_space<vmem_shared>>
      tpu.enqueue_dma source(%arg8 : memref<128x128xf32, #tpu.memory_space<vmem>>) target(%dma_start3A_38 : memref<128x128xf32, #tpu.memory_space<vmem_shared>>) target_semaphore(%run_scoped3A : memref<!tpu.dma_semaphore, #tpu.memory_space<semaphore_mem>>)
      %dma_wait3A = arith.constant 0 : i32
      %dma_wait3A_39 = tpu.memref_slice %arg9[%add3A_21, %dma_wait3A] : memref<10240x128xf32, #tpu.memory_space<vmem_shared>> -> memref<128x128xf32, #tpu.memory_space<vmem_shared>>
      %dma_wait3A_40 = arith.constant 0 : i32
      %dma_wait3A_41 = tpu.memref_slice %arg9[%add3A_21, %dma_wait3A_40] : memref<10240x128xf32, #tpu.memory_space<vmem_shared>> -> memref<128x128xf32, #tpu.memory_space<vmem_shared>>
      tpu.wait_dma2 semaphore(%run_scoped3A : memref<!tpu.dma_semaphore, #tpu.memory_space<semaphore_mem>>) src(%arg8 : memref<128x128xf32, #tpu.memory_space<vmem>>) dst(%dma_wait3A_41 : memref<128x128xf32, #tpu.memory_space<vmem_shared>>)
      tpu.yield
    }) : () -> ()
    %mul3A_22 = arith.constant 640 : i32
    %mul3A_23 = arith.muli %arg1, %mul3A_22 : i32
    %add3A_24 = arith.constant 512 : i32
    %add3A_25 = arith.addi %mul3A_23, %add3A_24 : i32
    "tpu.region"() ({
      %run_scoped3A = tpu.sem_alloc : memref<!tpu.dma_semaphore, #tpu.memory_space<semaphore_mem>>
      %dma_start3A = arith.constant 0 : i32
      %dma_start3A_36 = tpu.memref_slice %arg9[%add3A_25, %dma_start3A] : memref<10240x128xf32, #tpu.memory_space<vmem_shared>> -> memref<128x128xf32, #tpu.memory_space<vmem_shared>>
      %dma_start3A_37 = arith.constant 0 : i32
      %dma_start3A_38 = tpu.memref_slice %arg9[%add3A_25, %dma_start3A_37] : memref<10240x128xf32, #tpu.memory_space<vmem_shared>> -> memref<128x128xf32, #tpu.memory_space<vmem_shared>>
      tpu.enqueue_dma source(%arg8 : memref<128x128xf32, #tpu.memory_space<vmem>>) target(%dma_start3A_38 : memref<128x128xf32, #tpu.memory_space<vmem_shared>>) target_semaphore(%run_scoped3A : memref<!tpu.dma_semaphore, #tpu.memory_space<semaphore_mem>>)
      %dma_wait3A = arith.constant 0 : i32
      %dma_wait3A_39 = tpu.memref_slice %arg9[%add3A_25, %dma_wait3A] : memref<10240x128xf32, #tpu.memory_space<vmem_shared>> -> memref<128x128xf32, #tpu.memory_space<vmem_shared>>
      %dma_wait3A_40 = arith.constant 0 : i32
      %dma_wait3A_41 = tpu.memref_slice %arg9[%add3A_25, %dma_wait3A_40] : memref<10240x128xf32, #tpu.memory_space<vmem_shared>> -> memref<128x128xf32, #tpu.memory_space<vmem_shared>>
      tpu.wait_dma2 semaphore(%run_scoped3A : memref<!tpu.dma_semaphore, #tpu.memory_space<semaphore_mem>>) src(%arg8 : memref<128x128xf32, #tpu.memory_space<vmem>>) dst(%dma_wait3A_41 : memref<128x128xf32, #tpu.memory_space<vmem_shared>>)
      tpu.yield
    }) : () -> ()
    %barrier3A = arith.constant 0 : index
    tpu.barrier barrier_id(%barrier3A)
    %scan3A_26 = arith.constant 0 : i32
    %scan3A_27 = arith.constant 80 : i32
    %scan3A_28 = arith.addi %scan3A_26, %scan3A_27 : i32
    %scan3A_29 = arith.constant 1 : i32
    scf.for %scan3A_36 = %scan3A_26 to %scan3A_28 step %scan3A_29  : i32 {
      %mul3A_37 = arith.constant 1 : i32
      %mul3A_38 = arith.muli %scan3A_36, %mul3A_37 : i32
      %add3A_39 = arith.constant 0 : i32
      %add3A_40 = arith.addi %add3A_39, %mul3A_38 : i32
      %mul3A_41 = arith.constant 10240 : i32
      %mul3A_42 = arith.muli %add3A, %mul3A_41 : i32
      %mul3A_43 = arith.constant 128 : i32
      %mul3A_44 = arith.muli %add3A_40, %mul3A_43 : i32
      %add3A_45 = arith.addi %mul3A_42, %mul3A_44 : i32
      "tpu.region"() ({
        %run_scoped3A = tpu.sem_alloc : memref<!tpu.dma_semaphore, #tpu.memory_space<semaphore_mem>>
        %dma_start3A_50 = tpu.memref_slice %arg3[%add3A_45] : memref<327680xi32, #tpu.memory_space<hbm>> -> memref<128xi32, #tpu.memory_space<hbm>>
        %dma_start3A_51 = tpu.memref_slice %arg3[%add3A_45] : memref<327680xi32, #tpu.memory_space<hbm>> -> memref<128xi32, #tpu.memory_space<hbm>>
        tpu.enqueue_dma source(%dma_start3A_51 : memref<128xi32, #tpu.memory_space<hbm>>) target(%arg6 : memref<128xi32, #tpu.memory_space<vmem>>) target_semaphore(%run_scoped3A : memref<!tpu.dma_semaphore, #tpu.memory_space<semaphore_mem>>)
        %dma_wait3A_52 = tpu.memref_slice %arg3[%add3A_45] : memref<327680xi32, #tpu.memory_space<hbm>> -> memref<128xi32, #tpu.memory_space<hbm>>
        %dma_wait3A_53 = tpu.memref_slice %arg3[%add3A_45] : memref<327680xi32, #tpu.memory_space<hbm>> -> memref<128xi32, #tpu.memory_space<hbm>>
        tpu.wait_dma2 semaphore(%run_scoped3A : memref<!tpu.dma_semaphore, #tpu.memory_space<semaphore_mem>>) src(%dma_wait3A_53 : memref<128xi32, #tpu.memory_space<hbm>>) dst(%arg6 : memref<128xi32, #tpu.memory_space<vmem>>)
        tpu.yield
      }) : () -> ()
      "tpu.region"() ({
        %run_scoped3A = tpu.sem_alloc : memref<!tpu.dma_semaphore, #tpu.memory_space<semaphore_mem>>
        %dma_start3A_50 = tpu.memref_slice %arg4[%add3A_45] : memref<327680xi32, #tpu.memory_space<hbm>> -> memref<128xi32, #tpu.memory_space<hbm>>
        %dma_start3A_51 = tpu.memref_slice %arg4[%add3A_45] : memref<327680xi32, #tpu.memory_space<hbm>> -> memref<128xi32, #tpu.memory_space<hbm>>
        tpu.enqueue_dma source(%dma_start3A_51 : memref<128xi32, #tpu.memory_space<hbm>>) target(%arg7 : memref<128xi32, #tpu.memory_space<vmem>>) target_semaphore(%run_scoped3A : memref<!tpu.dma_semaphore, #tpu.memory_space<semaphore_mem>>)
        %dma_wait3A_52 = tpu.memref_slice %arg4[%add3A_45] : memref<327680xi32, #tpu.memory_space<hbm>> -> memref<128xi32, #tpu.memory_space<hbm>>
        %dma_wait3A_53 = tpu.memref_slice %arg4[%add3A_45] : memref<327680xi32, #tpu.memory_space<hbm>> -> memref<128xi32, #tpu.memory_space<hbm>>
        tpu.wait_dma2 semaphore(%run_scoped3A : memref<!tpu.dma_semaphore, #tpu.memory_space<semaphore_mem>>) src(%dma_wait3A_53 : memref<128xi32, #tpu.memory_space<hbm>>) dst(%arg7 : memref<128xi32, #tpu.memory_space<vmem>>)
        tpu.yield
      }) : () -> ()
      %dma_start3A = arith.constant 0 : i32
      %dma_start3A_46 = arith.constant 0 : i32
      %dma_start3A_47 = tpu.memref_slice %arg2[%dma_start3A, %dma_start3A_46] : memref<10240x128xf32, #tpu.memory_space<hbm>> -> memref<10240x128xf32, #tpu.memory_space<hbm>>
      tpu.enqueue_indirect_dma source(%dma_start3A_47 : memref<10240x128xf32, #tpu.memory_space<hbm>>) target(%arg8 : memref<128x128xf32, #tpu.memory_space<vmem>>) offsets(%arg6 : memref<128xi32, #tpu.memory_space<vmem>>) semaphore(%arg10 : memref<!tpu.dma_semaphore, #tpu.memory_space<semaphore_mem>>)
      %dma_wait3A = arith.constant 0 : i32
      %dma_wait3A_48 = arith.constant 0 : i32
      %dma_wait3A_49 = tpu.memref_slice %arg2[%dma_wait3A, %dma_wait3A_48] : memref<10240x128xf32, #tpu.memory_space<hbm>> -> memref<10240x128xf32, #tpu.memory_space<hbm>>
      tpu.wait_indirect_dma semaphore(%arg10 : memref<!tpu.dma_semaphore, #tpu.memory_space<semaphore_mem>>) src(%dma_wait3A_49 : memref<10240x128xf32, #tpu.memory_space<hbm>>) dst(%arg8 : memref<128x128xf32, #tpu.memory_space<vmem>>)
      "tpu.region"() ({
        %run_scoped3A = tpu.sem_alloc : memref<!tpu.dma_semaphore, #tpu.memory_space<semaphore_mem>>
        %dma_start3A_50 = arith.constant 0 : i32
        %dma_start3A_51 = arith.constant 0 : i32
        %dma_start3A_52 = tpu.memref_slice %arg9[%dma_start3A_50, %dma_start3A_51] : memref<10240x128xf32, #tpu.memory_space<vmem_shared>> -> memref<10240x128xf32, #tpu.memory_space<vmem_shared>>
        tpu.enqueue_indirect_dma source(%arg8 : memref<128x128xf32, #tpu.memory_space<vmem>>) target(%dma_start3A_52 : memref<10240x128xf32, #tpu.memory_space<vmem_shared>>) offsets(%arg7 : memref<128xi32, #tpu.memory_space<vmem>>) semaphore(%run_scoped3A : memref<!tpu.dma_semaphore, #tpu.memory_space<semaphore_mem>>) {add = true}
        %dma_wait3A_53 = arith.constant 0 : i32
        %dma_wait3A_54 = arith.constant 0 : i32
        %dma_wait3A_55 = tpu.memref_slice %arg9[%dma_wait3A_53, %dma_wait3A_54] : memref<10240x128xf32, #tpu.memory_space<vmem_shared>> -> memref<10240x128xf32, #tpu.memory_space<vmem_shared>>
        tpu.wait_indirect_dma semaphore(%run_scoped3A : memref<!tpu.dma_semaphore, #tpu.memory_space<semaphore_mem>>) src(%arg8 : memref<128x128xf32, #tpu.memory_space<vmem>>) dst(%dma_wait3A_55 : memref<10240x128xf32, #tpu.memory_space<vmem_shared>>)
        tpu.yield
      }) : () -> ()
    }
    %scan3A_30 = arith.constant 80 : i32
    %barrier3A_31 = arith.constant 0 : index
    tpu.barrier barrier_id(%barrier3A_31)
    %mul3A_32 = arith.constant 640 : i32
    %mul3A_33 = arith.muli %arg1, %mul3A_32 : i32
    %mul3A_34 = arith.constant 640 : i32
    %mul3A_35 = arith.muli %arg1, %mul3A_34 : i32
    "tpu.region"() ({
      %run_scoped3A = tpu.sem_alloc : memref<!tpu.dma_semaphore, #tpu.memory_space<semaphore_mem>>
      %dma_start3A = arith.constant 0 : i32
      %dma_start3A_36 = arith.constant 0 : i32
      %dma_start3A_37 = tpu.memref_slice %arg5[%arg0, %dma_start3A, %dma_start3A_36] : memref<2x10240x128xf32, #tpu.memory_space<hbm>> -> memref<1x10240x128xf32, #tpu.memory_space<hbm>>
      %dma_start3A_38 = tpu.memref_squeeze %dma_start3A_37 : memref<1x10240x128xf32, #tpu.memory_space<hbm>> -> memref<10240x128xf32, #tpu.memory_space<hbm>>
      %dma_start3A_39 = arith.constant 0 : i32
      %dma_start3A_40 = tpu.memref_slice %dma_start3A_38[%mul3A_35, %dma_start3A_39] : memref<10240x128xf32, #tpu.memory_space<hbm>> -> memref<640x128xf32, #tpu.memory_space<hbm>>
      %dma_start3A_41 = arith.constant 0 : i32
      %dma_start3A_42 = tpu.memref_slice %arg9[%mul3A_33, %dma_start3A_41] : memref<10240x128xf32, #tpu.memory_space<vmem_shared>> -> memref<640x128xf32, #tpu.memory_space<vmem_shared>>
      tpu.enqueue_dma source(%dma_start3A_42 : memref<640x128xf32, #tpu.memory_space<vmem_shared>>) target(%dma_start3A_40 : memref<640x128xf32, #tpu.memory_space<hbm>>) target_semaphore(%run_scoped3A : memref<!tpu.dma_semaphore, #tpu.memory_space<semaphore_mem>>)
      %dma_wait3A = arith.constant 0 : i32
      %dma_wait3A_43 = arith.constant 0 : i32
      %dma_wait3A_44 = tpu.memref_slice %arg5[%arg0, %dma_wait3A, %dma_wait3A_43] : memref<2x10240x128xf32, #tpu.memory_space<hbm>> -> memref<1x10240x128xf32, #tpu.memory_space<hbm>>
      %dma_wait3A_45 = tpu.memref_squeeze %dma_wait3A_44 : memref<1x10240x128xf32, #tpu.memory_space<hbm>> -> memref<10240x128xf32, #tpu.memory_space<hbm>>
      %dma_wait3A_46 = arith.constant 0 : i32
      %dma_wait3A_47 = tpu.memref_slice %dma_wait3A_45[%mul3A_35, %dma_wait3A_46] : memref<10240x128xf32, #tpu.memory_space<hbm>> -> memref<640x128xf32, #tpu.memory_space<hbm>>
      %dma_wait3A_48 = arith.constant 0 : i32
      %dma_wait3A_49 = tpu.memref_slice %arg9[%mul3A_33, %dma_wait3A_48] : memref<10240x128xf32, #tpu.memory_space<vmem_shared>> -> memref<640x128xf32, #tpu.memory_space<vmem_shared>>
      tpu.wait_dma2 semaphore(%run_scoped3A : memref<!tpu.dma_semaphore, #tpu.memory_space<semaphore_mem>>) src(%dma_wait3A_49 : memref<640x128xf32, #tpu.memory_space<vmem_shared>>) dst(%dma_wait3A_47 : memref<640x128xf32, #tpu.memory_space<hbm>>)
      tpu.yield
    }) : () -> ()
    return
  }
}

#map = affine_map<(d0, d1) -> (0)>
#map1 = affine_map<(d0, d1) -> (0, 0)>
module attributes {stable_mosaic.version = 14 : i64} {
  func.func @_deg_body(%arg0: i32, %arg1: i32, %arg2: memref<327680xi32, #tpu.memory_space<hbm>>, %arg3: memref<32x10240xf32, #tpu.memory_space<hbm>>, %arg4: memref<10240xi32, #tpu.memory_space<vmem>>, %arg5: memref<10240xf32, #tpu.memory_space<vmem>>) attributes {dimension_semantics = [#tpu.dimension_semantics<core_parallel>, #tpu.dimension_semantics<subcore_parallel>], iteration_bounds = array<i64: 2, 16>, scalar_prefetch = 0 : i64, scratch_operands = 2 : i64, tpu.core_type = #tpu.core_type<sc_vector_subcore>, window_params = [{transform_indices = #map}, {transform_indices = #map1}]} {
    %mul3A = arith.constant 2 : i32
    %mul3A_0 = arith.muli %arg1, %mul3A : i32
    %add3A = arith.addi %mul3A_0, %arg0 : i32
    %broadcast_in_dim3A = arith.constant 0.000000e+00 : f32
    %broadcast_in_dim3A_1 = vector.broadcast %broadcast_in_dim3A : f32 to vector<16xf32>
    %broadcast_in_dim3A_2 = arith.constant 1.000000e+00 : f32
    %broadcast_in_dim3A_3 = vector.broadcast %broadcast_in_dim3A_2 : f32 to vector<16xf32>
    %scan3A = arith.constant 0 : i32
    %scan3A_4 = arith.constant 640 : i32
    %scan3A_5 = arith.addi %scan3A, %scan3A_4 : i32
    %scan3A_6 = arith.constant 1 : i32
    scf.for %scan3A_15 = %scan3A to %scan3A_5 step %scan3A_6  : i32 {
      %mul3A_16 = arith.constant 1 : i32
      %mul3A_17 = arith.muli %scan3A_15, %mul3A_16 : i32
      %add3A_18 = arith.constant 0 : i32
      %add3A_19 = arith.addi %add3A_18, %mul3A_17 : i32
      %mul3A_20 = arith.constant 16 : i32
      %mul3A_21 = arith.muli %add3A_19, %mul3A_20 : i32
      %swap3A = arith.index_cast %mul3A_21 : i32 to index
      %swap3A_22 = tpu.vector_load %arg5[%swap3A] {strides = array<i32>} : memref<10240xf32, #tpu.memory_space<vmem>>, vector<16xf32>,
      tpu.vector_store %arg5[%swap3A], %broadcast_in_dim3A_1 {strides = array<i32>} : memref<10240xf32, #tpu.memory_space<vmem>>, vector<16xf32>,
    }
    %scan3A_7 = arith.constant 640 : i32
    %mul3A_8 = arith.constant 10240 : i32
    %mul3A_9 = arith.muli %add3A, %mul3A_8 : i32
    "tpu.region"() ({
      %run_scoped3A = tpu.sem_alloc : memref<!tpu.dma_semaphore, #tpu.memory_space<semaphore_mem>>
      %dma_start3A = tpu.memref_slice %arg2[%mul3A_9] : memref<327680xi32, #tpu.memory_space<hbm>> -> memref<10240xi32, #tpu.memory_space<hbm>>
      %dma_start3A_15 = tpu.memref_slice %arg2[%mul3A_9] : memref<327680xi32, #tpu.memory_space<hbm>> -> memref<10240xi32, #tpu.memory_space<hbm>>
      tpu.enqueue_dma source(%dma_start3A_15 : memref<10240xi32, #tpu.memory_space<hbm>>) target(%arg4 : memref<10240xi32, #tpu.memory_space<vmem>>) target_semaphore(%run_scoped3A : memref<!tpu.dma_semaphore, #tpu.memory_space<semaphore_mem>>)
      %dma_wait3A = tpu.memref_slice %arg2[%mul3A_9] : memref<327680xi32, #tpu.memory_space<hbm>> -> memref<10240xi32, #tpu.memory_space<hbm>>
      %dma_wait3A_16 = tpu.memref_slice %arg2[%mul3A_9] : memref<327680xi32, #tpu.memory_space<hbm>> -> memref<10240xi32, #tpu.memory_space<hbm>>
      tpu.wait_dma2 semaphore(%run_scoped3A : memref<!tpu.dma_semaphore, #tpu.memory_space<semaphore_mem>>) src(%dma_wait3A_16 : memref<10240xi32, #tpu.memory_space<hbm>>) dst(%arg4 : memref<10240xi32, #tpu.memory_space<vmem>>)
      tpu.yield
    }) : () -> ()
    %scan3A_10 = arith.constant 0 : i32
    %scan3A_11 = arith.constant 640 : i32
    %scan3A_12 = arith.addi %scan3A_10, %scan3A_11 : i32
    %scan3A_13 = arith.constant 1 : i32
    scf.for %scan3A_15 = %scan3A_10 to %scan3A_12 step %scan3A_13  : i32 {
      %mul3A_16 = arith.constant 1 : i32
      %mul3A_17 = arith.muli %scan3A_15, %mul3A_16 : i32
      %add3A_18 = arith.constant 0 : i32
      %add3A_19 = arith.addi %add3A_18, %mul3A_17 : i32
      %mul3A_20 = arith.constant 16 : i32
      %mul3A_21 = arith.muli %add3A_19, %mul3A_20 : i32
      %get3A = arith.index_cast %mul3A_21 : i32 to index
      %get3A_22 = tpu.vector_load %arg4[%get3A] {strides = array<i32>} : memref<10240xi32, #tpu.memory_space<vmem>>, vector<16xi32>,
      tpu.vector_store_idx %arg5[%get3A_22], %broadcast_in_dim3A_3 {add = true} : memref<10240xf32, #tpu.memory_space<vmem>>[vector<16xi32>], vector<16xf32>,
    }
    %scan3A_14 = arith.constant 640 : i32
    "tpu.region"() ({
      %run_scoped3A = tpu.sem_alloc : memref<!tpu.dma_semaphore, #tpu.memory_space<semaphore_mem>>
      %dma_start3A = arith.constant 0 : i32
      %dma_start3A_15 = tpu.memref_slice %arg3[%add3A, %dma_start3A] : memref<32x10240xf32, #tpu.memory_space<hbm>> -> memref<1x10240xf32, #tpu.memory_space<hbm>>
      %dma_start3A_16 = tpu.memref_squeeze %dma_start3A_15 : memref<1x10240xf32, #tpu.memory_space<hbm>> -> memref<10240xf32, #tpu.memory_space<hbm>>
      %dma_start3A_17 = arith.constant 0 : i32
      %dma_start3A_18 = tpu.memref_slice %arg3[%add3A, %dma_start3A_17] : memref<32x10240xf32, #tpu.memory_space<hbm>> -> memref<1x10240xf32, #tpu.memory_space<hbm>>
      %dma_start3A_19 = tpu.memref_squeeze %dma_start3A_18 : memref<1x10240xf32, #tpu.memory_space<hbm>> -> memref<10240xf32, #tpu.memory_space<hbm>>
      tpu.enqueue_dma source(%arg5 : memref<10240xf32, #tpu.memory_space<vmem>>) target(%dma_start3A_19 : memref<10240xf32, #tpu.memory_space<hbm>>) target_semaphore(%run_scoped3A : memref<!tpu.dma_semaphore, #tpu.memory_space<semaphore_mem>>)
      %dma_wait3A = arith.constant 0 : i32
      %dma_wait3A_20 = tpu.memref_slice %arg3[%add3A, %dma_wait3A] : memref<32x10240xf32, #tpu.memory_space<hbm>> -> memref<1x10240xf32, #tpu.memory_space<hbm>>
      %dma_wait3A_21 = tpu.memref_squeeze %dma_wait3A_20 : memref<1x10240xf32, #tpu.memory_space<hbm>> -> memref<10240xf32, #tpu.memory_space<hbm>>
      %dma_wait3A_22 = arith.constant 0 : i32
      %dma_wait3A_23 = tpu.memref_slice %arg3[%add3A, %dma_wait3A_22] : memref<32x10240xf32, #tpu.memory_space<hbm>> -> memref<1x10240xf32, #tpu.memory_space<hbm>>
      %dma_wait3A_24 = tpu.memref_squeeze %dma_wait3A_23 : memref<1x10240xf32, #tpu.memory_space<hbm>> -> memref<10240xf32, #tpu.memory_space<hbm>>
      tpu.wait_dma2 semaphore(%run_scoped3A : memref<!tpu.dma_semaphore, #tpu.memory_space<semaphore_mem>>) src(%arg5 : memref<10240xf32, #tpu.memory_space<vmem>>) dst(%dma_wait3A_24 : memref<10240xf32, #tpu.memory_space<hbm>>)
      tpu.yield
    }) : () -> ()
    return
  }
}

module attributes {stable_mosaic.version = 14 : i64} {
  func.func @_prescale_body(%arg0: memref<10240x128xf32, #tpu.memory_space<vmem>>, %arg1: memref<10240x32xf32, #tpu.memory_space<vmem>>, %arg2: memref<10240x128xf32, #tpu.memory_space<vmem>>) attributes {dimension_semantics = [], scalar_prefetch = 0 : i64, scratch_operands = 0 : i64, tpu.core_type = #tpu.core_type<tc>} {
    %get3A = arith.constant 0 : index
    %get3A_0 = arith.constant 0 : index
    %get3A_1 = vector.load %arg0[%get3A, %get3A_0] : memref<10240x128xf32, #tpu.memory_space<vmem>>, vector<10240x128xf32>
    %get3A_2 = arith.constant 0 : index
    %get3A_3 = arith.constant 0 : index
    %get3A_4 = vector.load %arg1[%get3A_2, %get3A_3] : memref<10240x32xf32, #tpu.memory_space<vmem>>, vector<10240x32xf32>
    %reduce_sum3A = arith.constant dense<0.000000e+00> : vector<10240xf32>
    %reduce_sum3A_5 = vector.multi_reduction <add>, %get3A_4, %reduce_sum3A [1] : vector<10240x32xf32> to vector<10240xf32>
    %broadcast_in_dim3A = vector.shape_cast %reduce_sum3A_5 : vector<10240xf32> to vector<10240x1xf32>
    %max3A = arith.constant 1.000000e+00 : f32
    %max3A_6 = vector.broadcast %max3A : f32 to vector<10240x1xf32>
    %max3A_7 = arith.maximumf %broadcast_in_dim3A, %max3A_6 : vector<10240x1xf32>
    %rsqrt3A = math.rsqrt %max3A_7 : vector<10240x1xf32>
    %mul3A = vector.broadcast %rsqrt3A : vector<10240x1xf32> to vector<10240x128xf32>
    %mul3A_8 = arith.mulf %get3A_1, %mul3A : vector<10240x128xf32>
    %swap3A = arith.constant 0 : index
    %swap3A_9 = arith.constant 0 : index
    %swap3A_10 = vector.load %arg2[%swap3A, %swap3A_9] : memref<10240x128xf32, #tpu.memory_space<vmem>>, vector<10240x128xf32>
    tpu.vector_store %arg2[%swap3A, %swap3A_9], %mul3A_8 {strides = array<i32>} : memref<10240x128xf32, #tpu.memory_space<vmem>>, vector<10240x128xf32>,
    return
  }
}

module attributes {stable_mosaic.version = 14 : i64} {
  func.func @_mid_body(%arg0: memref<2x10240x128xf32, #tpu.memory_space<vmem>>, %arg1: memref<128x128xf32, #tpu.memory_space<vmem>>, %arg2: memref<10240x32xf32, #tpu.memory_space<vmem>>, %arg3: memref<10240x128xf32, #tpu.memory_space<vmem>>) attributes {dimension_semantics = [], scalar_prefetch = 0 : i64, scratch_operands = 0 : i64, tpu.core_type = #tpu.core_type<tc>} {
    %get3A = arith.constant 0 : index
    %get3A_0 = arith.constant 0 : index
    %get3A_1 = arith.constant 0 : index
    %get3A_2 = vector.load %arg0[%get3A, %get3A_0, %get3A_1] : memref<2x10240x128xf32, #tpu.memory_space<vmem>>, vector<1x10240x128xf32>
    %get3A_3 = vector.shape_cast %get3A_2 : vector<1x10240x128xf32> to vector<10240x128xf32>
    %get3A_4 = arith.constant 1 : index
    %get3A_5 = arith.constant 0 : index
    %get3A_6 = arith.constant 0 : index
    %get3A_7 = vector.load %arg0[%get3A_4, %get3A_5, %get3A_6] : memref<2x10240x128xf32, #tpu.memory_space<vmem>>, vector<1x10240x128xf32>
    %get3A_8 = vector.shape_cast %get3A_7 : vector<1x10240x128xf32> to vector<10240x128xf32>
    %add3A = arith.addf %get3A_3, %get3A_8 : vector<10240x128xf32>
    %get3A_9 = arith.constant 0 : index
    %get3A_10 = arith.constant 0 : index
    %get3A_11 = vector.load %arg1[%get3A_9, %get3A_10] : memref<128x128xf32, #tpu.memory_space<vmem>>, vector<128x128xf32>
    %dot_general3A = arith.constant dense<0.000000e+00> : vector<10240x128xf32>
    %dot_general3A_12 = tpu.matmul %add3A, %get3A_11, %dot_general3A {dimension_numbers = #tpu.dot_dimension_numbers<[1], [0], [0], [1], [0, 0, 1, 1], [], []>, transpose_lhs_hint = false} : vector<10240x128xf32>, vector<128x128xf32>, vector<10240x128xf32> -> vector<10240x128xf32>
    %max3A = arith.constant 0.000000e+00 : f32
    %max3A_13 = vector.broadcast %max3A : f32 to vector<10240x128xf32>
    %max3A_14 = arith.maximumf %dot_general3A_12, %max3A_13 : vector<10240x128xf32>
    %mul3A = arith.mulf %max3A_14, %max3A_14 : vector<10240x128xf32>
    %reduce_sum3A = arith.constant dense<0.000000e+00> : vector<10240xf32>
    %reduce_sum3A_15 = vector.multi_reduction <add>, %mul3A, %reduce_sum3A [1] : vector<10240x128xf32> to vector<10240xf32>
    %broadcast_in_dim3A = vector.shape_cast %reduce_sum3A_15 : vector<10240xf32> to vector<10240x1xf32>
    %sqrt3A = math.sqrt %broadcast_in_dim3A : vector<10240x1xf32>
    %max3A_16 = arith.constant 9.99999996E-13 : f32
    %max3A_17 = vector.broadcast %max3A_16 : f32 to vector<10240x1xf32>
    %max3A_18 = arith.maximumf %sqrt3A, %max3A_17 : vector<10240x1xf32>
    %div3A = vector.broadcast %max3A_18 : vector<10240x1xf32> to vector<10240x128xf32>
    %div3A_19 = arith.divf %max3A_14, %div3A : vector<10240x128xf32>
    %get3A_20 = arith.constant 0 : index
    %get3A_21 = arith.constant 0 : index
    %get3A_22 = vector.load %arg2[%get3A_20, %get3A_21] : memref<10240x32xf32, #tpu.memory_space<vmem>>, vector<10240x32xf32>
    %reduce_sum3A_23 = arith.constant dense<0.000000e+00> : vector<10240xf32>
    %reduce_sum3A_24 = vector.multi_reduction <add>, %get3A_22, %reduce_sum3A_23 [1] : vector<10240x32xf32> to vector<10240xf32>
    %broadcast_in_dim3A_25 = vector.shape_cast %reduce_sum3A_24 : vector<10240xf32> to vector<10240x1xf32>
    %max3A_26 = arith.constant 1.000000e+00 : f32
    %max3A_27 = vector.broadcast %max3A_26 : f32 to vector<10240x1xf32>
    %max3A_28 = arith.maximumf %broadcast_in_dim3A_25, %max3A_27 : vector<10240x1xf32>
    %rsqrt3A = math.rsqrt %max3A_28 : vector<10240x1xf32>
    %mul3A_29 = vector.broadcast %rsqrt3A : vector<10240x1xf32> to vector<10240x128xf32>
    %mul3A_30 = arith.mulf %div3A_19, %mul3A_29 : vector<10240x128xf32>
    %swap3A = arith.constant 0 : index
    %swap3A_31 = arith.constant 0 : index
    %swap3A_32 = vector.load %arg3[%swap3A, %swap3A_31] : memref<10240x128xf32, #tpu.memory_space<vmem>>, vector<10240x128xf32>
    tpu.vector_store %arg3[%swap3A, %swap3A_31], %mul3A_30 {strides = array<i32>} : memref<10240x128xf32, #tpu.memory_space<vmem>>, vector<10240x128xf32>,
    return
  }
}

module attributes {stable_mosaic.version = 14 : i64} {
  func.func @_out_body(%arg0: memref<2x10240x128xf32, #tpu.memory_space<vmem>>, %arg1: memref<128x128xf32, #tpu.memory_space<vmem>>, %arg2: memref<10240x32xf32, #tpu.memory_space<vmem>>, %arg3: memref<10240x128xf32, #tpu.memory_space<vmem>>) attributes {dimension_semantics = [], scalar_prefetch = 0 : i64, scratch_operands = 0 : i64, tpu.core_type = #tpu.core_type<tc>} {
    %get3A = arith.constant 0 : index
    %get3A_0 = arith.constant 0 : index
    %get3A_1 = arith.constant 0 : index
    %get3A_2 = vector.load %arg0[%get3A, %get3A_0, %get3A_1] : memref<2x10240x128xf32, #tpu.memory_space<vmem>>, vector<1x10240x128xf32>
    %get3A_3 = vector.shape_cast %get3A_2 : vector<1x10240x128xf32> to vector<10240x128xf32>
    %get3A_4 = arith.constant 1 : index
    %get3A_5 = arith.constant 0 : index
    %get3A_6 = arith.constant 0 : index
    %get3A_7 = vector.load %arg0[%get3A_4, %get3A_5, %get3A_6] : memref<2x10240x128xf32, #tpu.memory_space<vmem>>, vector<1x10240x128xf32>
    %get3A_8 = vector.shape_cast %get3A_7 : vector<1x10240x128xf32> to vector<10240x128xf32>
    %add3A = arith.addf %get3A_3, %get3A_8 : vector<10240x128xf32>
    %get3A_9 = arith.constant 0 : index
    %get3A_10 = arith.constant 0 : index
    %get3A_11 = vector.load %arg2[%get3A_9, %get3A_10] : memref<10240x32xf32, #tpu.memory_space<vmem>>, vector<10240x32xf32>
    %reduce_sum3A = arith.constant dense<0.000000e+00> : vector<10240xf32>
    %reduce_sum3A_12 = vector.multi_reduction <add>, %get3A_11, %reduce_sum3A [1] : vector<10240x32xf32> to vector<10240xf32>
    %broadcast_in_dim3A = vector.shape_cast %reduce_sum3A_12 : vector<10240xf32> to vector<10240x1xf32>
    %max3A = arith.constant 1.000000e+00 : f32
    %max3A_13 = vector.broadcast %max3A : f32 to vector<10240x1xf32>
    %max3A_14 = arith.maximumf %broadcast_in_dim3A, %max3A_13 : vector<10240x1xf32>
    %rsqrt3A = math.rsqrt %max3A_14 : vector<10240x1xf32>
    %mul3A = vector.broadcast %rsqrt3A : vector<10240x1xf32> to vector<10240x128xf32>
    %mul3A_15 = arith.mulf %add3A, %mul3A : vector<10240x128xf32>
    %get3A_16 = arith.constant 0 : index
    %get3A_17 = arith.constant 0 : index
    %get3A_18 = vector.load %arg1[%get3A_16, %get3A_17] : memref<128x128xf32, #tpu.memory_space<vmem>>, vector<128x128xf32>
    %dot_general3A = arith.constant dense<0.000000e+00> : vector<10240x128xf32>
    %dot_general3A_19 = tpu.matmul %mul3A_15, %get3A_18, %dot_general3A {dimension_numbers = #tpu.dot_dimension_numbers<[1], [0], [0], [1], [0, 0, 1, 1], [], []>, transpose_lhs_hint = false} : vector<10240x128xf32>, vector<128x128xf32>, vector<10240x128xf32> -> vector<10240x128xf32>
    %swap3A = arith.constant 0 : index
    %swap3A_20 = arith.constant 0 : index
    %swap3A_21 = vector.load %arg3[%swap3A, %swap3A_20] : memref<10240x128xf32, #tpu.memory_space<vmem>>, vector<10240x128xf32>
    tpu.vector_store %arg3[%swap3A, %swap3A_20], %dot_general3A_19 {strides = array<i32>} : memref<10240x128xf32, #tpu.memory_space<vmem>>, vector<10240x128xf32>,
    return
  }
}

</mosaic_0001>

<sc_bundles>
// kernel: kernel.11.cloned.1.call-start
scs
__scs_entry_jumppad:
0x0: {  	(pc) =	sbr.rel $0x88, $3  }
0x1: {  	(tag) =	ssettag $0x0;
	lr =	simm.s32 $0x1  }
0x2: {  	[smem:$0x3F9D] =	sst lr;
	_ =	strace $0xD0000000  }
0x3: {  	_ = 	snop  }
0x4: {  	_ = 	snop  }
0x5: {  	_ = 	snop  }
0x6: {  	_ = 	snop  }
0x7: {  	_ = 	snop  }
__scs_overlays_trampoline_lowered:
0x8: {  	[smem:$0x3FAC] =	sst s0  }
0x9: {  	[smem:$0x3FAD] =	sst s1  }
0xa: {  	[smem:$0x3FAE] =	sst s2  }
0xb: {  	[smem:$0x3FAF] =	sst s3  }
0xc: {  	[smem:$0x3FB0] =	sst s4  }
0xd: {  	[smem:$0x3FB1] =	sst s5  }
0xe: {  	[smem:$0x3FB2] =	sst s6  }
0xf: {  	[smem:$0x3FB3] =	sst s7  }
0x10: {  	[smem:$0x3FB4] =	sst s8  }
0x11: {  	[smem:$0x3FB5] =	sst s9;
	s0 =	simm.s32 @!p0 $0x0  }
0x12: {  	s1 =	sld [smem:$0x3F9B];
	s0 =	simm.s32 @p0 $0x1  }
0x13: {  	[smem:$0x3FB6] =	sst s0;
	s0 =	simm.s32 @!p1 $0x0  }
0x14: {  	s2 =	sld [smem:$0x3F9A];
	s0 =	simm.s32 @p1 $0x1  }
0x15: {  	[smem:$0x3FB7] =	sst s0;
	s0 =	simm.s32 @!p2 $0x0  }
0x16: {  	s3 =	sld [smem:$0x3FDB];
	s0 =	simm.s32 @p2 $0x1  }
0x17: {  	s4 =	simm.s32 $0x1BF5;
	[smem:$0x3FB9] =	sst s0  }
0x18: {  	s0 =	sld [smem:$0x3F9C];
	_ =	swait.ge [sflag:s4], $0x0  }
0x19: {  	s7 =	sld [smem:$0x3F9D]  }
0x1a: {  	s8 =	sadd.s32 $0xFFFFE003, lr  }
0x1b: {  	s9 =	sadd.s32 $0xFFFFFEF7, lr;
	s5 =	simm.s32 $0xFFFFFFFF;
	p2 =	slt.u32 s8, $0xFFFFF086  }
0x1c: {  	p1 =	slt.u32 s9, $0xF7A;
	s5 =	simm.s32 @!p2 $0x0  }
0x1d: {  	s5 =	simm.s32 @p1 $0x1;
	p0 =	seq.s32 s7, s2  }
0x1e: {  	s7 =	smul.u32 @!p0 $0xF7A, s2;
	p2 =	seq.s32 @!p0 s5, $0x0  }
0x1f: {  	s9 =	smul.u32 $0xF7A, s1;
	s8 =	simm.s32 @!p0 $0x1BF5;
	p2 =	por !p2, p0  }
0x20: {  	[sflag:s8] =	ssyncset.s32 @!p0 $0xFFFFF086;
	s6 =	sadd.s32 @!p0 s3, s7;
	s7 =	simm.s32 @!p0 $0x108  }
0x21: {  	s3 =	sadd.s32 s3, s9;
	s6 =	sadd.s32 @!p0 $0x88, s6;
	s7 =	simm.s32 @p2 $0x1082  }
0x22: {  	[simem:s7], [sflag:s8] =	dma.local @!p0 [hbm:s6], $0xF7A  }
0x23: {  	s9 =	sor.u32 $0xD0000000, s2;
	s6 =	simm.s32 $0x108;
	_ =	swait.ge @!p0 [sflag:s8], $0x0  }
0x24: {  	s3 =	sadd.s32 $0x88, s3;
	s6 =	simm.s32 @!p1 $0x1082;
	[sflag:s4] =	ssyncset.s32 $0xFFFFF086  }
0x25: {  	[simem:s6], [sflag:s4] =	dma.local [hbm:s3], $0xF7A  }
0x26: {  	[smem:$0x3F9D] =	sst s1;
	(tag) =	ssettag s2;
	_ =	strace s9  }
0x27: {  	s1 =	sld [smem:$0x3FAD]  }
0x28: {  	s2 =	sld [smem:$0x3FAE]  }
0x29: {  	s4 =	sld [smem:$0x3FB0]  }
0x2a: {  	p0 =	seq.s32 s5, $0x0;
	s5 =	sld [smem:$0x3FB1]  }
0x2b: {  	s6 =	sld [smem:$0x3FB2]  }
0x2c: {  	s7 =	sld [smem:$0x3FB3]  }
0x2d: {  	s3 =	simm.s32 $0x108;
	s8 =	sld [smem:$0x3FB4]  }
0x2e: {  	s3 =	simm.s32 @!p0 $0x1082;
	s9 =	sld [smem:$0x3FB5]  }
0x2f: {  	lr =	sadd.s32 s0, s3;
	s0 =	sld [smem:$0x3FAC]  }
0x30: {  	s3 =	sld [smem:$0x3FAF]  }
0x31: {  	[smem:$0x3FB8] =	sst s10  }
0x32: {  	s10 =	sld [smem:$0x3FB6];
	_ =	sdelay $0x3  }
0x33: {  	p0 =	seq.s32 s10, $0x1;
	s10 =	sld [smem:$0x3FB8];
	_ =	sdelay $0x3  }
0x34: {  	[smem:$0x3FB8] =	sst s10  }
0x35: {  	s10 =	sld [smem:$0x3FB7];
	_ =	sdelay $0x3  }
0x36: {  	p1 =	seq.s32 s10, $0x1;
	s10 =	sld [smem:$0x3FB8];
	_ =	sdelay $0x3  }
0x37: {  	[smem:$0x3FB8] =	sst s10  }
0x38: {  	s10 =	sld [smem:$0x3FB9]  }
0x39: {  	_ = 	snop;
	(pc) =	sbr.ind lr, $3  }
0x3a: {  	_ = 	snop  }
0x3b: {  	_ = 	snop  }
0x3c: {  	p2 =	seq.s32 s10, $0x1;
	s10 =	sld [smem:$0x3FB8]  }
0x3d: {  	_ =	shalt  }
0x3e: {  	_ =	shalt  }
0x3f: {  	_ =	shalt  }
0x40: {  	_ =	shalt  }
0x41: {  	_ =	shalt  }
0x42: {  	_ =	shalt  }
0x43: {  	_ =	shalt  }
0x44: {  	_ =	shalt  }
0x45: {  	_ =	shalt  }
0x46: {  	_ =	shalt  }
0x47: {  	_ =	shalt  }
0x48: {  	_ =	shalt  }
0x49: {  	_ =	shalt  }
0x4a: {  	_ =	shalt  }
0x4b: {  	_ =	shalt  }
0x4c: {  	_ =	shalt  }
0x4d: {  	_ =	shalt  }
0x4e: {  	_ =	shalt  }
0x4f: {  	_ =	shalt  }
0x50: {  	_ =	shalt  }
0x51: {  	_ =	shalt  }
0x52: {  	_ =	shalt  }
0x53: {  	_ =	shalt  }
0x54: {  	_ =	shalt  }
0x55: {  	_ =	shalt  }
0x56: {  	_ =	shalt  }
0x57: {  	_ =	shalt  }
0x58: {  	_ =	shalt  }
0x59: {  	_ =	shalt  }
0x5a: {  	_ =	shalt  }
0x5b: {  	_ =	shalt  }
0x5c: {  	_ =	shalt  }
0x5d: {  	_ =	shalt  }
0x5e: {  	_ =	shalt  }
0x5f: {  	_ =	shalt  }
0x60: {  	_ =	shalt  }
0x61: {  	_ =	shalt  }
0x62: {  	_ =	shalt  }
0x63: {  	_ =	shalt  }
0x64: {  	_ =	shalt  }
0x65: {  	_ =	shalt  }
0x66: {  	_ =	shalt  }
0x67: {  	_ =	shalt  }
0x68: {  	_ =	shalt  }
0x69: {  	_ =	shalt  }
0x6a: {  	_ =	shalt  }
0x6b: {  	_ =	shalt  }
0x6c: {  	_ =	shalt  }
0x6d: {  	_ =	shalt  }
0x6e: {  	_ =	shalt  }
0x6f: {  	_ =	shalt  }
0x70: {  	_ =	shalt  }
0x71: {  	_ =	shalt  }
0x72: {  	_ =	shalt  }
0x73: {  	_ =	shalt  }
0x74: {  	_ =	shalt  }
0x75: {  	_ =	shalt  }
0x76: {  	_ =	shalt  }
0x77: {  	_ =	shalt  }
0x78: {  	_ =	shalt  }
0x79: {  	_ =	shalt  }
0x7a: {  	_ =	shalt  }
0x7b: {  	_ =	shalt  }
0x7c: {  	_ =	shalt  }
0x7d: {  	_ =	shalt  }
0x7e: {  	_ =	shalt  }
0x7f: {  	_ =	shalt  }
0x80: {  	_ =	shalt  }
0x81: {  	_ =	shalt  }
0x82: {  	_ =	shalt  }
0x83: {  	_ =	shalt  }
0x84: {  	_ =	shalt  }
0x85: {  	_ =	shalt  }
0x86: {  	_ =	shalt  }
0x87: {  	_ =	shalt  }
.Lfunc_end0:
.L_simem_size_0:
called_computation.1_lowered:
.L_overlay_start_0:
0x88: {  	s2 =	sld [smem:$0x3FD9]  }
0x89: {  	s3 =	sld [smem:$0x3FFE];
	_ =	sdelay $0x1  }
0x8a: {  	s1 =	srdreg.scid  }
0x8b: {  	s0 =	sand.u32 $0x1, s1  }
0x8c: {  	s17 =	sshll.u32 s0, $0xA;
	s2 =	sadd.s32 s3, s2  }
0x8d: {  	s2 =	sadd.s32 s2, s17  }
0x8e: {  	[smem:$0x3FC4] =	sst s2  }
0x8f: {  	_ = 	snop  }
0x90: {  	s2 =	sld [smem:$0x3FD0];
	(tm) =	ssettm $0x1  }
0x91: {  	s18 =	sld [smem:$0x3FFB];
	_ =	sdelay $0x3  }
0x92: {  	_ =	strace s18  }
0x93: {  	s3 =	sld [smem:$0x3FFC];
	_ =	sdelay $0x3  }
0x94: {  	_ =	strace s3  }
0x95: {  	s3 =	sld [smem:$0x3FFD];
	_ =	sdelay $0x3  }
0x96: {  	_ =	strace s3  }
0x97: {  	_ =	strace $0x8FFFFFFF  }
0x98: {  	s19 =	sld [smem:$0x3FDB];
	_ =	sdelay $0x1  }
0x99: {  	s4 =	simm.s32 $_scs_section_size  }
0x9a: {  	s5 =	simm.s32 $_size__tile_overlayer_lowered;
	s6 =	simm.s32 $_tile_overlayer_lowered  }
0x9b: {  	s22 =	simm.s32 $0x1BFF;
	s21 =	sshll.u32 s6, $0x1;
	s3 =	sadd.s32 s4, s19  }
0x9c: {  	s7 =	simm.s32 $0x0;
	s20 =	sshll.u32 s5, $0x1;
	s5 =	sadd.s32 s21, s3  }
0x9d: {  	[timem:s7], [sflag:s22] =	dma.local [hbm:s5], s20  }
0x9e: {  	_ =	swait.ge [sflag:s22], s20  }
0x9f: {  	s4 =	ssub.s32 $0x0, s20;
	[sflag:s22] =	ssyncset.done $0x0  }
0xa0: {  	[sflag:s22] =	ssyncadd.s32 s4;
	_ =	sdelay $0x1  }
0xa1: {  	s23 =	simm.s32 $0x1B8B  }
0xa2: {  	_ =	swait.ge [sflag:s23], $0x1  }
0xa3: {  	[sflag:s23] =	ssyncset.done $0x0  }
0xa4: {  	s25 =	simm.s32 $0x1B8E;
	s24 =	sld [smem:$0x3FFE];
	[sflag:s23] =	ssyncadd.s32 $0xFFFFFFFF  }
0xa5: {  	s26 =	simm.s32 $execute0_lowered;
	[smem:$0x3FD2] =	sst s25  }
0xa6: {  	s5 =	sshll.u32 s26, $0x1;
	_ =	strace $0x80000049;
	[dreg:$0x1] =	wrdreg $0xFFFFFFFF  }
0xa7: {  	s28 =	simm.s32 $_size_execute0_lowered;
	s3 =	sadd.s32 s3, s5;
	[dreg:$0x0] =	wrdreg $0x0  }
0xa8: {  	s5 =	sshll.u32 s28, $0x1;
	[dreg:$0x2] =	wrdreg s3  }
0xa9: {  	[dreg:$0x3] =	wrdreg s5  }
0xaa: {  	[dreg:$0x4] =	wrdreg $0xC0  }
0xab: {  	_ =	task [dreg:s7], $0x5FFFF  }
0xac: {  	[dreg:$0x1] =	wrdreg $0xFFFFFFFF  }
0xad: {  	[dreg:$0x0] =	wrdreg $0x60  }
0xae: {  	[dreg:$0x2] =	wrdreg s24  }
0xaf: {  	[dreg:$0x3] =	wrdreg s2  }
0xb0: {  	[dreg:$0x4] =	wrdreg $0x41000  }
0xb1: {  	[dreg:$0x5] =	wrdreg $0x9  }
0xb2: {  	_ =	task.clear_ibuf [dreg:s7], $0x6FFFF;
	_ =	strace $0x90000049  }
0xb3: {  	s29 =	simm.s32 $0x9;
	_ =	strace $0x8000004B  }
0xb4: {  	_ =	swait.ge [sflag:s29], $0x1  }
0xb5: {  	[sflag:s29] =	ssyncadd.s32 $0xFFFFFFFF  }
0xb6: {  	_ =	strace $0x9000004B  }
0xb7: {  	_ =	sfence  }
0xb8: {  	s30 =	sld [smem:$0x0];
	_ =	sdelay $0x2  }
0xb9: {  	s31 =	sshll.u32 s1, $0xD;
	s1 =	sshrl.u32 s1, $0x2  }
0xba: {  	s3 =	sand.u32 $0x4000, s31;
	s1 =	sadd.s32 s1, s30  }
0xbb: {  	s0 =	sor.u32 s3, s0;
	s1 =	sshll.u32 s1, $0x11  }
0xbc: {  	s0 =	sor.u32 s1, s0  }
0xbd: {  	s0 =	sadd.s32 $0x8F2B, s0  }
0xbe: {  	[sflag:s0] =	ssyncadd.remote.s32 $0x1  }
0xbf: {  	_ =	sfence.sel $0xFFFF  }
0xc0: {  	[dreg:$0x0] =	wrdreg $0xFFFFFFFF;
	(pc) =	sbr.abs _section_cstart, $3  }
0xc1: {  	[dreg:$0x1] =	wrdreg $0xFFFFFFFF  }
0xc2: {  	_ =	task.clear_ibuf [dreg:s7], $0x2FFFF;
	_ =	strace $0x9FFFFFFF  }
0xc3: {  	(tm) =	ssettm $0x7FFFFFFF  }
tec
execute0_lowered:
.L_overlay_start_1:
0x0: {  	(tag) =	ssettag $0x1  }
0x1: {  	s5 =	rddreg [dreg:$0x0]  }
0x2: {  	s10 =	rddreg [dreg:$0x1]  }
0x3: {  	s2 =	rddreg [dreg:$0x2]  }
0x4: {  	s0 =	rddreg [dreg:$0x3];
	s3 =	simm.s32 $0x0;
	s1 =	stileid.u32  }
0x5: {  	s4 =	srdreg.scid;
	s16 =	simm.s32 $0x1;
	s11 =	smul.u32 $0xA00, s1  }
0x6: {  	s20 =	simm.s32 $0x0;
	[smem:$0x7FF] =	sst s3;
	s6 =	smul.u32 $0x50000, s1  }
0x7: {  	s8 =	sand.u32 $0x1, s4;
	s4 =	sadd.s32 $0x15800, s5;
	s18 =	smul.u32 $0x2800, s1  }
0x8: {  	s31 =	sshll.u32 s1, $0x6;
	_ =	strace $0x8000004A;
	s7 =	smul.u32 $0x28000, s8  }
0x9: {  	s9 =	ssub.s32 $0x2, s8;
	s15 =	smul.u32 $0x500, s8;
	s12 =	sadd.s32 s11, s5  }
0xa: {  	s13 =	sshrl.u32 s9, $0x1;
	s6 =	sshrl.u32 s6, $0x2;
	s11 =	sadd.s32 s11, s10  }
0xb: {  	s14 =	sadd.s32 s7, s5;
	s13 =	ssub.s32 s9, s13;
	s5 =	sadd.s32 s6, s2  }
0xc: {  	s12 =	sadd.s32 s15, s12;
	s11 =	sadd.s32 s15, s11;
	s15 =	simm.s32 $0x80  }
0xd: {  	s6 =	sadd.s32 $0x4000, s5;
	s7 =	sadd.s32 $0x8000, s5;
	s8 =	sadd.s32 $0xC000, s5  }
0xe: {  	s9 =	sadd.s32 $0x10000, s5;
	s17 =	sadd.s32 $0x3D800, s14;
	s10 =	smax.u32 s13, $0x1  }
0xf: {  	s12 =	sadd.s32 $0xB800, s12;
	s13 =	simm.s32 $0x100;
	s14 =	simm.s32 $0x2  }
0x10: {  	v0 =	vimm.f32 $0.0e+00;
	s19 =	sshrl.u32 s5, $0x3;
	s17 =	sadd.s32 s18, s17;
	s18 =	sor.u32 $0x1C02, s31  }
.LBB2_1:
0x11: {  	s21 =	simm.s32 $0x0;
	s22 =	simm.s32 $0x200  }
.LBB2_2:
0x12: {  	p0 =	sne.s32 s22, $0xFE00;
	[tilespmem:s21+$0x170] =	vst v0  }
0x13: {  	[tilespmem:s21+$0x100] =	vst v0  }
0x14: {  	[tilespmem:s21+$0x110] =	vst v0  }
.Ltmp0:
0x15: {  	[tilespmem:s21+$0x120] =	vst v0;
	(pc) =	sbr.rel @p0 .LBB2_2-.Ltmp0, $4  }
0x16: {  	[tilespmem:s21+$0x130] =	vst v0  }
0x17: {  	[tilespmem:s21+$0x140] =	vst v0  }
0x18: {  	[tilespmem:s21+$0x150] =	vst v0  }
0x19: {  	[tilespmem:s21+$0x160] =	vst v0;
	s21 =	sshra.s32 s22, $0x2;
	s22 =	sadd.s32 $0x200, s22  }
0x1a: {  	[tilespmem:s21+$0x170] =	vst v0  }
0x1b: {  	[tilespmem:s21+$0x100] =	vst v0  }
0x1c: {  	[tilespmem:s21+$0x110] =	vst v0  }
0x1d: {  	[tilespmem:s21+$0x120] =	vst v0  }
0x1e: {  	[tilespmem:s21+$0x130] =	vst v0  }
0x1f: {  	[tilespmem:s21+$0x140] =	vst v0  }
0x20: {  	[tilespmem:s21+$0x150] =	vst v0  }
0x21: {  	[tilespmem:s21+$0x160] =	vst v0  }
0x22: {  	[spmem:s5] =	stream.linear.scatter [tilespmem:s13], [sflag:$0x2], $0x4000, $0x38;
	[tilespmem:$0x18100] =	vst v63  }
0x23: {  	_ =	swait.ge [sflag:s14], $0x4000  }
0x24: {  	[sflag:s14] =	ssyncset.done $0x0  }
0x25: {  	[sflag:s14] =	ssyncadd.s32 $0xFFFFC000  }
0x26: {  	[spmem:s6] =	stream.linear.scatter [tilespmem:s13], [sflag:$0x2], $0x4000, $0x38;
	[tilespmem:$0x18100] =	vst v63  }
0x27: {  	_ =	swait.ge [sflag:s14], $0x4000  }
0x28: {  	[sflag:s14] =	ssyncset.done $0x0  }
0x29: {  	[sflag:s14] =	ssyncadd.s32 $0xFFFFC000  }
0x2a: {  	[spmem:s7] =	stream.linear.scatter [tilespmem:s13], [sflag:$0x2], $0x4000, $0x38;
	[tilespmem:$0x18100] =	vst v63  }
0x2b: {  	_ =	swait.ge [sflag:s14], $0x4000  }
0x2c: {  	[sflag:s14] =	ssyncset.done $0x0  }
0x2d: {  	[sflag:s14] =	ssyncadd.s32 $0xFFFFC000  }
0x2e: {  	[spmem:s8] =	stream.linear.scatter [tilespmem:s13], [sflag:$0x2], $0x4000, $0x38;
	[tilespmem:$0x18100] =	vst v63  }
0x2f: {  	_ =	swait.ge [sflag:s14], $0x4000  }
0x30: {  	[sflag:s14] =	ssyncset.done $0x0  }
0x31: {  	[sflag:s14] =	ssyncadd.s32 $0xFFFFC000  }
0x32: {  	[spmem:s9] =	stream.linear.scatter [tilespmem:s13], [sflag:$0x2], $0x4000, $0x38;
	[tilespmem:$0x18100] =	vst v63  }
0x33: {  	_ =	swait.ge [sflag:s14], $0x4000  }
0x34: {  	[sflag:s14] =	ssyncset.done $0x0  }
0x35: {  	[sflag:s14] =	ssyncadd.s32 $0xFFFFC000  }
0x36: {  	s30 =	sadd.s32 $0x0, s12;
	[bflag:$0x0] =	sbarrier.arrive $0xFFFF  }
0x37: {  	[tilespmem:s3], [sflag:$0x2] =	stream.linear.gather [hbm4b:s30+s3], $0x80, $0x38;
	[tilespmem:$0x18100] =	vst v63  }
0x38: {  	_ =	swait.ge [sflag:s14], $0x80  }
0x39: {  	[sflag:s14] =	ssyncset.done $0x0  }
0x3a: {  	s31 =	sadd.s32 $0x0, s11;
	[sflag:s14] =	ssyncadd.s32 $0xFFFFFF80  }
0x3b: {  	[tilespmem:s15], [sflag:$0x2] =	stream.linear.gather [hbm4b:s31+s3], $0x80, $0x38;
	[tilespmem:$0x18100] =	vst v63  }
0x3c: {  	_ =	swait.ge [sflag:s14], $0x80  }
0x3d: {  	[sflag:s14] =	ssyncset.done $0x0  }
0x3e: {  	[sflag:s14] =	ssyncadd.s32 $0xFFFFFF80  }
0x3f: {  	[tilespmem:s13], [sflag:$0x1] =	stream.indirect.gather [hbm4b:s4+s15], $0x80, s3, s15, $0xb8;
	[tilespmem:$0x18100] =	vst v63  }
0x40: {  	_ =	swait.ge [sflag:s16], $0x4000  }
0x41: {  	[sflag:s16] =	ssyncset.done $0x0  }
0x42: {  	[sflag:s16] =	ssyncadd.s32 $0xFFFFC000  }
0x43: {  	[spmem:s2] =	stream.indirect.scatter.add.f32 [tilespmem:s13], [sflag:$0x2], $0x80, s15, s15, $0xb8;
	[tilespmem:$0x18100] =	vst v63  }
0x44: {  	_ =	swait.ge [sflag:s14], $0x4000  }
0x45: {  	s21 =	simm.s32 $0x10;
	s22 =	simm.s32 $0x20;
	[sflag:s14] =	ssyncset.done $0x0  }
.LBB2_4:
0x46: {  	s23 =	sadd.s32 s21, s12  }
0x47: {  	[sflag:s14] =	ssyncadd.s32 $0xFFFFC000;
	s24 =	smov.u32 s22;
	s25 =	sadd.s32 $0x10, s22  }
0x48: {  	[tilespmem:s3], [sflag:$0x2] =	stream.linear.gather [hbm4b:s23+s3], $0x80, $0x38;
	[tilespmem:$0x18100] =	vst v63  }
0x49: {  	p0 =	sne.s32 s22, $0x4F0;
	_ =	swait.ge [sflag:s14], $0x80  }
0x4a: {  	[sflag:s14] =	ssyncset.done $0x0  }
0x4b: {  	s22 =	sadd.s32 s21, s11;
	s21 =	smov.u32 s24;
	[sflag:s14] =	ssyncadd.s32 $0xFFFFFF80  }
0x4c: {  	[tilespmem:s15], [sflag:$0x2] =	stream.linear.gather [hbm4b:s22+s3], $0x80, $0x38;
	[tilespmem:$0x18100] =	vst v63  }
0x4d: {  	_ =	swait.ge [sflag:s14], $0x80  }
0x4e: {  	[sflag:s14] =	ssyncset.done $0x0  }
0x4f: {  	[sflag:s14] =	ssyncadd.s32 $0xFFFFFF80  }
0x50: {  	[tilespmem:s13], [sflag:$0x1] =	stream.indirect.gather [hbm4b:s4+s15], $0x80, s3, s15, $0xb8;
	[tilespmem:$0x18100] =	vst v63  }
0x51: {  	_ =	swait.ge [sflag:s16], $0x4000  }
.Ltmp1:
0x52: {  	[sflag:s16] =	ssyncset.done $0x0;
	(pc) =	sbr.rel @p0 .LBB2_4-.Ltmp1, $4  }
0x53: {  	[sflag:s16] =	ssyncadd.s32 $0xFFFFC000  }
0x54: {  	[spmem:s2] =	stream.indirect.scatter.add.f32 [tilespmem:s13], [sflag:$0x2], $0x80, s15, s15, $0xb8;
	[tilespmem:$0x18100] =	vst v63  }
0x55: {  	_ =	swait.ge [sflag:s14], $0x4000  }
0x56: {  	s22 =	smov.u32 s25;
	[sflag:s14] =	ssyncset.done $0x0  }
0x57: {  	s22 =	sadd.s32 s21, s12;
	[sflag:s14] =	ssyncadd.s32 $0xFFFFC000  }
0x58: {  	[tilespmem:s3], [sflag:$0x2] =	stream.linear.gather [hbm4b:s22+s3], $0x80, $0x38;
	[tilespmem:$0x18100] =	vst v63  }
0x59: {  	_ =	swait.ge [sflag:s14], $0x80  }
0x5a: {  	[sflag:s14] =	ssyncset.done $0x0  }
0x5b: {  	s31 =	sadd.s32 s21, s11;
	[sflag:s14] =	ssyncadd.s32 $0xFFFFFF80  }
0x5c: {  	[tilespmem:s15], [sflag:$0x2] =	stream.linear.gather [hbm4b:s31+s3], $0x80, $0x38;
	[tilespmem:$0x18100] =	vst v63  }
0x5d: {  	_ =	swait.ge [sflag:s14], $0x80  }
0x5e: {  	[sflag:s14] =	ssyncset.done $0x0  }
0x5f: {  	[sflag:s14] =	ssyncadd.s32 $0xFFFFFF80  }
0x60: {  	[tilespmem:s13], [sflag:$0x1] =	stream.indirect.gather [hbm4b:s4+s15], $0x80, s3, s15, $0xb8;
	[tilespmem:$0x18100] =	vst v63  }
0x61: {  	_ =	swait.ge [sflag:s16], $0x4000  }
0x62: {  	[sflag:s16] =	ssyncset.done $0x0  }
0x63: {  	[sflag:s16] =	ssyncadd.s32 $0xFFFFC000  }
0x64: {  	[spmem:s2] =	stream.indirect.scatter.add.f32 [tilespmem:s13], [sflag:$0x2], $0x80, s15, s15, $0xb8;
	[tilespmem:$0x18100] =	vst v63  }
0x65: {  	_ =	swait.ge [sflag:s14], $0x4000  }
0x66: {  	s20 =	sadd.s32 $0x1, s20;
	[sflag:s14] =	ssyncset.done $0x0  }
0x67: {  	p0 =	sne.s32 s20, s10;
	[sflag:s14] =	ssyncadd.s32 $0xFFFFC000  }
.Ltmp2:
0x68: {  	[bflag:$0x0] =	sbarrier.arrive $0xFFFF;
	(pc) =	sbr.rel @p0 .LBB2_1-.Ltmp2, $4  }
0x69: {  	[hbm:s17], [sflag:s18] =	dma.local [spmem:s19], $0x2800  }
0x6a: {  	_ =	swait.ge [sflag:s14], $0x2800  }
0x6b: {  	[sflag:s14] =	ssyncset.done $0x0  }
0x6c: {  	[sflag:s14] =	ssyncadd.s32 $0xFFFFD800  }
0x6d: {  	_ =	sfence.sel $0x180000  }
0x6e: {  	[bflag:$0x0] =	sbarrier.arrive $0xFFFF  }
0x6f: {  	p0 =	sne.s32 s1, $0x0;
	_ =	strace $0x9000004A  }
0x70: {  	s0 =	sadd.s32 @!p0 $0x100000, s0;
	[bflag:$0x2] =	sbarrier.arrive $0xFFFF  }
0x71: {  	[sflag:s0] =	ssyncadd.tile.s32 @!p0 $0x1;
	_ =	shalt  }
.Lfunc_end2:
_tile_overlayer_lowered:
.L_overlay_start_2:
0x72: {  	(tag) =	ssettag $0x2  }
0x73: {  	s0 =	rddreg [dreg:$0x0];
	s2 =	stileid.u32  }
0x74: {  	s1 =	rddreg [dreg:$0x1];
	p0 =	sne.s32 s2, $0x0  }
0x75: {  	s3 =	rddreg [dreg:$0x2];
	[bflag:$0x3] =	sbarrier.arrive $0xFFFF;
	s2 =	simm.s32 @!p0 $0x1C02  }
0x76: {  	[timem:s3], [sflag:s2] =	dma.local @!p0 [hbm:s0], s1  }
0x77: {  	s0 =	simm.s32 @!p0 $0x2  }
0x78: {  	_ =	swait.ge @!p0 [sflag:s0], s1  }
0x79: {  	s1 =	ssub.s32 @!p0 $0x0, s1;
	[sflag:s0] =	ssyncset.done @!p0 $0x0  }
0x7a: {  	[sflag:s0] =	ssyncadd.s32 @!p0 s1  }
0x7b: {  	[bflag:$0x3] =	sbarrier.arrive $0xFFFF  }
0x7c: {  	_ =	shalt  }

// kernel: kernel.14.cloned.1.call-start
scs
__scs_entry_jumppad:
0x0: {  	(pc) =	sbr.rel $0x88, $3  }
0x1: {  	(tag) =	ssettag $0x0;
	lr =	simm.s32 $0x1  }
0x2: {  	[smem:$0x3F9D] =	sst lr;
	_ =	strace $0xD0000000  }
0x3: {  	_ = 	snop  }
0x4: {  	_ = 	snop  }
0x5: {  	_ = 	snop  }
0x6: {  	_ = 	snop  }
0x7: {  	_ = 	snop  }
__scs_overlays_trampoline_lowered:
0x8: {  	[smem:$0x3FAC] =	sst s0  }
0x9: {  	[smem:$0x3FAD] =	sst s1  }
0xa: {  	[smem:$0x3FAE] =	sst s2  }
0xb: {  	[smem:$0x3FAF] =	sst s3  }
0xc: {  	[smem:$0x3FB0] =	sst s4  }
0xd: {  	[smem:$0x3FB1] =	sst s5  }
0xe: {  	[smem:$0x3FB2] =	sst s6  }
0xf: {  	[smem:$0x3FB3] =	sst s7  }
0x10: {  	[smem:$0x3FB4] =	sst s8  }
0x11: {  	[smem:$0x3FB5] =	sst s9;
	s0 =	simm.s32 @!p0 $0x0  }
0x12: {  	s1 =	sld [smem:$0x3F9B];
	s0 =	simm.s32 @p0 $0x1  }
0x13: {  	[smem:$0x3FB6] =	sst s0;
	s0 =	simm.s32 @!p1 $0x0  }
0x14: {  	s2 =	sld [smem:$0x3F9A];
	s0 =	simm.s32 @p1 $0x1  }
0x15: {  	[smem:$0x3FB7] =	sst s0;
	s0 =	simm.s32 @!p2 $0x0  }
0x16: {  	s3 =	sld [smem:$0x3FDB];
	s0 =	simm.s32 @p2 $0x1  }
0x17: {  	s4 =	simm.s32 $0x1BF5;
	[smem:$0x3FB9] =	sst s0  }
0x18: {  	s0 =	sld [smem:$0x3F9C];
	_ =	swait.ge [sflag:s4], $0x0  }
0x19: {  	s7 =	sld [smem:$0x3F9D]  }
0x1a: {  	s8 =	sadd.s32 $0xFFFFE003, lr  }
0x1b: {  	s9 =	sadd.s32 $0xFFFFFEF7, lr;
	s5 =	simm.s32 $0xFFFFFFFF;
	p2 =	slt.u32 s8, $0xFFFFF086  }
0x1c: {  	p1 =	slt.u32 s9, $0xF7A;
	s5 =	simm.s32 @!p2 $0x0  }
0x1d: {  	s5 =	simm.s32 @p1 $0x1;
	p0 =	seq.s32 s7, s2  }
0x1e: {  	s7 =	smul.u32 @!p0 $0xF7A, s2;
	p2 =	seq.s32 @!p0 s5, $0x0  }
0x1f: {  	s9 =	smul.u32 $0xF7A, s1;
	s8 =	simm.s32 @!p0 $0x1BF5;
	p2 =	por !p2, p0  }
0x20: {  	[sflag:s8] =	ssyncset.s32 @!p0 $0xFFFFF086;
	s6 =	sadd.s32 @!p0 s3, s7;
	s7 =	simm.s32 @!p0 $0x108  }
0x21: {  	s3 =	sadd.s32 s3, s9;
	s6 =	sadd.s32 @!p0 $0x88, s6;
	s7 =	simm.s32 @p2 $0x1082  }
0x22: {  	[simem:s7], [sflag:s8] =	dma.local @!p0 [hbm:s6], $0xF7A  }
0x23: {  	s9 =	sor.u32 $0xD0000000, s2;
	s6 =	simm.s32 $0x108;
	_ =	swait.ge @!p0 [sflag:s8], $0x0  }
0x24: {  	s3 =	sadd.s32 $0x88, s3;
	s6 =	simm.s32 @!p1 $0x1082;
	[sflag:s4] =	ssyncset.s32 $0xFFFFF086  }
0x25: {  	[simem:s6], [sflag:s4] =	dma.local [hbm:s3], $0xF7A  }
0x26: {  	[smem:$0x3F9D] =	sst s1;
	(tag) =	ssettag s2;
	_ =	strace s9  }
0x27: {  	s1 =	sld [smem:$0x3FAD]  }
0x28: {  	s2 =	sld [smem:$0x3FAE]  }
0x29: {  	s4 =	sld [smem:$0x3FB0]  }
0x2a: {  	p0 =	seq.s32 s5, $0x0;
	s5 =	sld [smem:$0x3FB1]  }
0x2b: {  	s6 =	sld [smem:$0x3FB2]  }
0x2c: {  	s7 =	sld [smem:$0x3FB3]  }
0x2d: {  	s3 =	simm.s32 $0x108;
	s8 =	sld [smem:$0x3FB4]  }
0x2e: {  	s3 =	simm.s32 @!p0 $0x1082;
	s9 =	sld [smem:$0x3FB5]  }
0x2f: {  	lr =	sadd.s32 s0, s3;
	s0 =	sld [smem:$0x3FAC]  }
0x30: {  	s3 =	sld [smem:$0x3FAF]  }
0x31: {  	[smem:$0x3FB8] =	sst s10  }
0x32: {  	s10 =	sld [smem:$0x3FB6];
	_ =	sdelay $0x3  }
0x33: {  	p0 =	seq.s32 s10, $0x1;
	s10 =	sld [smem:$0x3FB8];
	_ =	sdelay $0x3  }
0x34: {  	[smem:$0x3FB8] =	sst s10  }
0x35: {  	s10 =	sld [smem:$0x3FB7];
	_ =	sdelay $0x3  }
0x36: {  	p1 =	seq.s32 s10, $0x1;
	s10 =	sld [smem:$0x3FB8];
	_ =	sdelay $0x3  }
0x37: {  	[smem:$0x3FB8] =	sst s10  }
0x38: {  	s10 =	sld [smem:$0x3FB9]  }
0x39: {  	_ = 	snop;
	(pc) =	sbr.ind lr, $3  }
0x3a: {  	_ = 	snop  }
0x3b: {  	_ = 	snop  }
0x3c: {  	p2 =	seq.s32 s10, $0x1;
	s10 =	sld [smem:$0x3FB8]  }
0x3d: {  	_ =	shalt  }
0x3e: {  	_ =	shalt  }
0x3f: {  	_ =	shalt  }
0x40: {  	_ =	shalt  }
0x41: {  	_ =	shalt  }
0x42: {  	_ =	shalt  }
0x43: {  	_ =	shalt  }
0x44: {  	_ =	shalt  }
0x45: {  	_ =	shalt  }
0x46: {  	_ =	shalt  }
0x47: {  	_ =	shalt  }
0x48: {  	_ =	shalt  }
0x49: {  	_ =	shalt  }
0x4a: {  	_ =	shalt  }
0x4b: {  	_ =	shalt  }
0x4c: {  	_ =	shalt  }
0x4d: {  	_ =	shalt  }
0x4e: {  	_ =	shalt  }
0x4f: {  	_ =	shalt  }
0x50: {  	_ =	shalt  }
0x51: {  	_ =	shalt  }
0x52: {  	_ =	shalt  }
0x53: {  	_ =	shalt  }
0x54: {  	_ =	shalt  }
0x55: {  	_ =	shalt  }
0x56: {  	_ =	shalt  }
0x57: {  	_ =	shalt  }
0x58: {  	_ =	shalt  }
0x59: {  	_ =	shalt  }
0x5a: {  	_ =	shalt  }
0x5b: {  	_ =	shalt  }
0x5c: {  	_ =	shalt  }
0x5d: {  	_ =	shalt  }
0x5e: {  	_ =	shalt  }
0x5f: {  	_ =	shalt  }
0x60: {  	_ =	shalt  }
0x61: {  	_ =	shalt  }
0x62: {  	_ =	shalt  }
0x63: {  	_ =	shalt  }
0x64: {  	_ =	shalt  }
0x65: {  	_ =	shalt  }
0x66: {  	_ =	shalt  }
0x67: {  	_ =	shalt  }
0x68: {  	_ =	shalt  }
0x69: {  	_ =	shalt  }
0x6a: {  	_ =	shalt  }
0x6b: {  	_ =	shalt  }
0x6c: {  	_ =	shalt  }
0x6d: {  	_ =	shalt  }
0x6e: {  	_ =	shalt  }
0x6f: {  	_ =	shalt  }
0x70: {  	_ =	shalt  }
0x71: {  	_ =	shalt  }
0x72: {  	_ =	shalt  }
0x73: {  	_ =	shalt  }
0x74: {  	_ =	shalt  }
0x75: {  	_ =	shalt  }
0x76: {  	_ =	shalt  }
0x77: {  	_ =	shalt  }
0x78: {  	_ =	shalt  }
0x79: {  	_ =	shalt  }
0x7a: {  	_ =	shalt  }
0x7b: {  	_ =	shalt  }
0x7c: {  	_ =	shalt  }
0x7d: {  	_ =	shalt  }
0x7e: {  	_ =	shalt  }
0x7f: {  	_ =	shalt  }
0x80: {  	_ =	shalt  }
0x81: {  	_ =	shalt  }
0x82: {  	_ =	shalt  }
0x83: {  	_ =	shalt  }
0x84: {  	_ =	shalt  }
0x85: {  	_ =	shalt  }
0x86: {  	_ =	shalt  }
0x87: {  	_ =	shalt  }
.Lfunc_end0:
.L_simem_size_0:
called_computation.2_lowered:
.L_overlay_start_0:
0x88: {  	s2 =	sld [smem:$0x3FD9]  }
0x89: {  	s3 =	sld [smem:$0x3FFE];
	_ =	sdelay $0x1  }
0x8a: {  	s1 =	srdreg.scid  }
0x8b: {  	s0 =	sand.u32 $0x1, s1  }
0x8c: {  	s17 =	sshll.u32 s0, $0xA;
	s2 =	sadd.s32 s3, s2  }
0x8d: {  	s2 =	sadd.s32 s2, s17  }
0x8e: {  	[smem:$0x3FC4] =	sst s2  }
0x8f: {  	_ = 	snop  }
0x90: {  	s2 =	sld [smem:$0x3FD0];
	(tm) =	ssettm $0x1  }
0x91: {  	s18 =	sld [smem:$0x3FFB];
	_ =	sdelay $0x3  }
0x92: {  	_ =	strace s18  }
0x93: {  	s3 =	sld [smem:$0x3FFC];
	_ =	sdelay $0x3  }
0x94: {  	_ =	strace s3  }
0x95: {  	s3 =	sld [smem:$0x3FFD];
	_ =	sdelay $0x3  }
0x96: {  	_ =	strace s3  }
0x97: {  	_ =	strace $0x8FFFFFFF  }
0x98: {  	s19 =	sld [smem:$0x3FDB];
	_ =	sdelay $0x1  }
0x99: {  	s4 =	simm.s32 $_scs_section_size  }
0x9a: {  	s5 =	simm.s32 $_size__tile_overlayer_lowered;
	s6 =	simm.s32 $_tile_overlayer_lowered  }
0x9b: {  	s22 =	simm.s32 $0x1BFF;
	s21 =	sshll.u32 s6, $0x1;
	s3 =	sadd.s32 s4, s19  }
0x9c: {  	s7 =	simm.s32 $0x0;
	s20 =	sshll.u32 s5, $0x1;
	s5 =	sadd.s32 s21, s3  }
0x9d: {  	[timem:s7], [sflag:s22] =	dma.local [hbm:s5], s20  }
0x9e: {  	_ =	swait.ge [sflag:s22], s20  }
0x9f: {  	s4 =	ssub.s32 $0x0, s20;
	[sflag:s22] =	ssyncset.done $0x0  }
0xa0: {  	[sflag:s22] =	ssyncadd.s32 s4;
	_ =	sdelay $0x1  }
0xa1: {  	s23 =	simm.s32 $0x1B8B  }
0xa2: {  	_ =	swait.ge [sflag:s23], $0x1  }
0xa3: {  	[sflag:s23] =	ssyncset.done $0x0  }
0xa4: {  	s25 =	simm.s32 $0x1B8E;
	s24 =	sld [smem:$0x3FFE];
	[sflag:s23] =	ssyncadd.s32 $0xFFFFFFFF  }
0xa5: {  	s26 =	simm.s32 $execute0_lowered;
	[smem:$0x3FD2] =	sst s25  }
0xa6: {  	s5 =	sshll.u32 s26, $0x1;
	_ =	strace $0x8000004C;
	[dreg:$0x1] =	wrdreg $0xFFFFFFFF  }
0xa7: {  	s28 =	simm.s32 $_size_execute0_lowered;
	s3 =	sadd.s32 s3, s5;
	[dreg:$0x0] =	wrdreg $0x0  }
0xa8: {  	s5 =	sshll.u32 s28, $0x1;
	[dreg:$0x2] =	wrdreg s3  }
0xa9: {  	[dreg:$0x3] =	wrdreg s5  }
0xaa: {  	[dreg:$0x4] =	wrdreg $0xC0  }
0xab: {  	_ =	task [dreg:s7], $0x5FFFF  }
0xac: {  	[dreg:$0x1] =	wrdreg $0xFFFFFFFF  }
0xad: {  	[dreg:$0x0] =	wrdreg $0x60  }
0xae: {  	[dreg:$0x2] =	wrdreg s24  }
0xaf: {  	[dreg:$0x3] =	wrdreg s2  }
0xb0: {  	[dreg:$0x4] =	wrdreg $0x41000  }
0xb1: {  	[dreg:$0x5] =	wrdreg $0x9  }
0xb2: {  	_ =	task.clear_ibuf [dreg:s7], $0x6FFFF;
	_ =	strace $0x9000004C  }
0xb3: {  	s29 =	simm.s32 $0x9;
	_ =	strace $0x8000004E  }
0xb4: {  	_ =	swait.ge [sflag:s29], $0x1  }
0xb5: {  	[sflag:s29] =	ssyncadd.s32 $0xFFFFFFFF  }
0xb6: {  	_ =	strace $0x9000004E  }
0xb7: {  	_ =	sfence  }
0xb8: {  	s30 =	sld [smem:$0x0];
	_ =	sdelay $0x2  }
0xb9: {  	s31 =	sshll.u32 s1, $0xD;
	s1 =	sshrl.u32 s1, $0x2  }
0xba: {  	s3 =	sand.u32 $0x4000, s31;
	s1 =	sadd.s32 s1, s30  }
0xbb: {  	s0 =	sor.u32 s3, s0;
	s1 =	sshll.u32 s1, $0x11  }
0xbc: {  	s0 =	sor.u32 s1, s0  }
0xbd: {  	s0 =	sadd.s32 $0x8F2B, s0  }
0xbe: {  	[sflag:s0] =	ssyncadd.remote.s32 $0x1  }
0xbf: {  	_ =	sfence.sel $0xFFFF  }
0xc0: {  	[dreg:$0x0] =	wrdreg $0xFFFFFFFF;
	(pc) =	sbr.abs _section_cstart, $3  }
0xc1: {  	[dreg:$0x1] =	wrdreg $0xFFFFFFFF  }
0xc2: {  	_ =	task.clear_ibuf [dreg:s7], $0x2FFFF;
	_ =	strace $0x9FFFFFFF  }
0xc3: {  	(tm) =	ssettm $0x7FFFFFFF  }
tec
execute0_lowered:
.L_overlay_start_1:
0x0: {  	(tag) =	ssettag $0x1  }
0x1: {  	s5 =	rddreg [dreg:$0x0]  }
0x2: {  	s10 =	rddreg [dreg:$0x1]  }
0x3: {  	s2 =	rddreg [dreg:$0x2]  }
0x4: {  	s0 =	rddreg [dreg:$0x3];
	s3 =	simm.s32 $0x0;
	s1 =	stileid.u32  }
0x5: {  	s4 =	srdreg.scid;
	s16 =	simm.s32 $0x1;
	s11 =	smul.u32 $0xA00, s1  }
0x6: {  	s20 =	simm.s32 $0x0;
	[smem:$0x7FF] =	sst s3;
	s6 =	smul.u32 $0x50000, s1  }
0x7: {  	s8 =	sand.u32 $0x1, s4;
	s4 =	sadd.s32 $0x15800, s5;
	s18 =	smul.u32 $0x2800, s1  }
0x8: {  	s31 =	sshll.u32 s1, $0x6;
	_ =	strace $0x8000004D;
	s7 =	smul.u32 $0x28000, s8  }
0x9: {  	s9 =	ssub.s32 $0x2, s8;
	s15 =	smul.u32 $0x500, s8;
	s12 =	sadd.s32 s11, s5  }
0xa: {  	s13 =	sshrl.u32 s9, $0x1;
	s6 =	sshrl.u32 s6, $0x2;
	s11 =	sadd.s32 s11, s10  }
0xb: {  	s14 =	sadd.s32 s7, s5;
	s13 =	ssub.s32 s9, s13;
	s5 =	sadd.s32 s6, s2  }
0xc: {  	s12 =	sadd.s32 s15, s12;
	s11 =	sadd.s32 s15, s11;
	s15 =	simm.s32 $0x80  }
0xd: {  	s6 =	sadd.s32 $0x4000, s5;
	s7 =	sadd.s32 $0x8000, s5;
	s8 =	sadd.s32 $0xC000, s5  }
0xe: {  	s9 =	sadd.s32 $0x10000, s5;
	s17 =	sadd.s32 $0x3D800, s14;
	s10 =	smax.u32 s13, $0x1  }
0xf: {  	s12 =	sadd.s32 $0xB800, s12;
	s13 =	simm.s32 $0x100;
	s14 =	simm.s32 $0x2  }
0x10: {  	v0 =	vimm.f32 $0.0e+00;
	s19 =	sshrl.u32 s5, $0x3;
	s17 =	sadd.s32 s18, s17;
	s18 =	sor.u32 $0x1C02, s31  }
.LBB2_1:
0x11: {  	s21 =	simm.s32 $0x0;
	s22 =	simm.s32 $0x200  }
.LBB2_2:
0x12: {  	p0 =	sne.s32 s22, $0xFE00;
	[tilespmem:s21+$0x170] =	vst v0  }
0x13: {  	[tilespmem:s21+$0x100] =	vst v0  }
0x14: {  	[tilespmem:s21+$0x110] =	vst v0  }
.Ltmp0:
0x15: {  	[tilespmem:s21+$0x120] =	vst v0;
	(pc) =	sbr.rel @p0 .LBB2_2-.Ltmp0, $4  }
0x16: {  	[tilespmem:s21+$0x130] =	vst v0  }
0x17: {  	[tilespmem:s21+$0x140] =	vst v0  }
0x18: {  	[tilespmem:s21+$0x150] =	vst v0  }
0x19: {  	[tilespmem:s21+$0x160] =	vst v0;
	s21 =	sshra.s32 s22, $0x2;
	s22 =	sadd.s32 $0x200, s22  }
0x1a: {  	[tilespmem:s21+$0x170] =	vst v0  }
0x1b: {  	[tilespmem:s21+$0x100] =	vst v0  }
0x1c: {  	[tilespmem:s21+$0x110] =	vst v0  }
0x1d: {  	[tilespmem:s21+$0x120] =	vst v0  }
0x1e: {  	[tilespmem:s21+$0x130] =	vst v0  }
0x1f: {  	[tilespmem:s21+$0x140] =	vst v0  }
0x20: {  	[tilespmem:s21+$0x150] =	vst v0  }
0x21: {  	[tilespmem:s21+$0x160] =	vst v0  }
0x22: {  	[spmem:s5] =	stream.linear.scatter [tilespmem:s13], [sflag:$0x2], $0x4000, $0x38;
	[tilespmem:$0x18100] =	vst v63  }
0x23: {  	_ =	swait.ge [sflag:s14], $0x4000  }
0x24: {  	[sflag:s14] =	ssyncset.done $0x0  }
0x25: {  	[sflag:s14] =	ssyncadd.s32 $0xFFFFC000  }
0x26: {  	[spmem:s6] =	stream.linear.scatter [tilespmem:s13], [sflag:$0x2], $0x4000, $0x38;
	[tilespmem:$0x18100] =	vst v63  }
0x27: {  	_ =	swait.ge [sflag:s14], $0x4000  }
0x28: {  	[sflag:s14] =	ssyncset.done $0x0  }
0x29: {  	[sflag:s14] =	ssyncadd.s32 $0xFFFFC000  }
0x2a: {  	[spmem:s7] =	stream.linear.scatter [tilespmem:s13], [sflag:$0x2], $0x4000, $0x38;
	[tilespmem:$0x18100] =	vst v63  }
0x2b: {  	_ =	swait.ge [sflag:s14], $0x4000  }
0x2c: {  	[sflag:s14] =	ssyncset.done $0x0  }
0x2d: {  	[sflag:s14] =	ssyncadd.s32 $0xFFFFC000  }
0x2e: {  	[spmem:s8] =	stream.linear.scatter [tilespmem:s13], [sflag:$0x2], $0x4000, $0x38;
	[tilespmem:$0x18100] =	vst v63  }
0x2f: {  	_ =	swait.ge [sflag:s14], $0x4000  }
0x30: {  	[sflag:s14] =	ssyncset.done $0x0  }
0x31: {  	[sflag:s14] =	ssyncadd.s32 $0xFFFFC000  }
0x32: {  	[spmem:s9] =	stream.linear.scatter [tilespmem:s13], [sflag:$0x2], $0x4000, $0x38;
	[tilespmem:$0x18100] =	vst v63  }
0x33: {  	_ =	swait.ge [sflag:s14], $0x4000  }
0x34: {  	[sflag:s14] =	ssyncset.done $0x0  }
0x35: {  	[sflag:s14] =	ssyncadd.s32 $0xFFFFC000  }
0x36: {  	s30 =	sadd.s32 $0x0, s12;
	[bflag:$0x0] =	sbarrier.arrive $0xFFFF  }
0x37: {  	[tilespmem:s3], [sflag:$0x2] =	stream.linear.gather [hbm4b:s30+s3], $0x80, $0x38;
	[tilespmem:$0x18100] =	vst v63  }
0x38: {  	_ =	swait.ge [sflag:s14], $0x80  }
0x39: {  	[sflag:s14] =	ssyncset.done $0x0  }
0x3a: {  	s31 =	sadd.s32 $0x0, s11;
	[sflag:s14] =	ssyncadd.s32 $0xFFFFFF80  }
0x3b: {  	[tilespmem:s15], [sflag:$0x2] =	stream.linear.gather [hbm4b:s31+s3], $0x80, $0x38;
	[tilespmem:$0x18100] =	vst v63  }
0x3c: {  	_ =	swait.ge [sflag:s14], $0x80  }
0x3d: {  	[sflag:s14] =	ssyncset.done $0x0  }
0x3e: {  	[sflag:s14] =	ssyncadd.s32 $0xFFFFFF80  }
0x3f: {  	[tilespmem:s13], [sflag:$0x1] =	stream.indirect.gather [hbm4b:s4+s15], $0x80, s3, s15, $0xb8;
	[tilespmem:$0x18100] =	vst v63  }
0x40: {  	_ =	swait.ge [sflag:s16], $0x4000  }
0x41: {  	[sflag:s16] =	ssyncset.done $0x0  }
0x42: {  	[sflag:s16] =	ssyncadd.s32 $0xFFFFC000  }
0x43: {  	[spmem:s2] =	stream.indirect.scatter.add.f32 [tilespmem:s13], [sflag:$0x2], $0x80, s15, s15, $0xb8;
	[tilespmem:$0x18100] =	vst v63  }
0x44: {  	_ =	swait.ge [sflag:s14], $0x4000  }
0x45: {  	s21 =	simm.s32 $0x10;
	s22 =	simm.s32 $0x20;
	[sflag:s14] =	ssyncset.done $0x0  }
.LBB2_4:
0x46: {  	s23 =	sadd.s32 s21, s12  }
0x47: {  	[sflag:s14] =	ssyncadd.s32 $0xFFFFC000;
	s24 =	smov.u32 s22;
	s25 =	sadd.s32 $0x10, s22  }
0x48: {  	[tilespmem:s3], [sflag:$0x2] =	stream.linear.gather [hbm4b:s23+s3], $0x80, $0x38;
	[tilespmem:$0x18100] =	vst v63  }
0x49: {  	p0 =	sne.s32 s22, $0x4F0;
	_ =	swait.ge [sflag:s14], $0x80  }
0x4a: {  	[sflag:s14] =	ssyncset.done $0x0  }
0x4b: {  	s22 =	sadd.s32 s21, s11;
	s21 =	smov.u32 s24;
	[sflag:s14] =	ssyncadd.s32 $0xFFFFFF80  }
0x4c: {  	[tilespmem:s15], [sflag:$0x2] =	stream.linear.gather [hbm4b:s22+s3], $0x80, $0x38;
	[tilespmem:$0x18100] =	vst v63  }
0x4d: {  	_ =	swait.ge [sflag:s14], $0x80  }
0x4e: {  	[sflag:s14] =	ssyncset.done $0x0  }
0x4f: {  	[sflag:s14] =	ssyncadd.s32 $0xFFFFFF80  }
0x50: {  	[tilespmem:s13], [sflag:$0x1] =	stream.indirect.gather [hbm4b:s4+s15], $0x80, s3, s15, $0xb8;
	[tilespmem:$0x18100] =	vst v63  }
0x51: {  	_ =	swait.ge [sflag:s16], $0x4000  }
.Ltmp1:
0x52: {  	[sflag:s16] =	ssyncset.done $0x0;
	(pc) =	sbr.rel @p0 .LBB2_4-.Ltmp1, $4  }
0x53: {  	[sflag:s16] =	ssyncadd.s32 $0xFFFFC000  }
0x54: {  	[spmem:s2] =	stream.indirect.scatter.add.f32 [tilespmem:s13], [sflag:$0x2], $0x80, s15, s15, $0xb8;
	[tilespmem:$0x18100] =	vst v63  }
0x55: {  	_ =	swait.ge [sflag:s14], $0x4000  }
0x56: {  	s22 =	smov.u32 s25;
	[sflag:s14] =	ssyncset.done $0x0  }
0x57: {  	s22 =	sadd.s32 s21, s12;
	[sflag:s14] =	ssyncadd.s32 $0xFFFFC000  }
0x58: {  	[tilespmem:s3], [sflag:$0x2] =	stream.linear.gather [hbm4b:s22+s3], $0x80, $0x38;
	[tilespmem:$0x18100] =	vst v63  }
0x59: {  	_ =	swait.ge [sflag:s14], $0x80  }
0x5a: {  	[sflag:s14] =	ssyncset.done $0x0  }
0x5b: {  	s31 =	sadd.s32 s21, s11;
	[sflag:s14] =	ssyncadd.s32 $0xFFFFFF80  }
0x5c: {  	[tilespmem:s15], [sflag:$0x2] =	stream.linear.gather [hbm4b:s31+s3], $0x80, $0x38;
	[tilespmem:$0x18100] =	vst v63  }
0x5d: {  	_ =	swait.ge [sflag:s14], $0x80  }
0x5e: {  	[sflag:s14] =	ssyncset.done $0x0  }
0x5f: {  	[sflag:s14] =	ssyncadd.s32 $0xFFFFFF80  }
0x60: {  	[tilespmem:s13], [sflag:$0x1] =	stream.indirect.gather [hbm4b:s4+s15], $0x80, s3, s15, $0xb8;
	[tilespmem:$0x18100] =	vst v63  }
0x61: {  	_ =	swait.ge [sflag:s16], $0x4000  }
0x62: {  	[sflag:s16] =	ssyncset.done $0x0  }
0x63: {  	[sflag:s16] =	ssyncadd.s32 $0xFFFFC000  }
0x64: {  	[spmem:s2] =	stream.indirect.scatter.add.f32 [tilespmem:s13], [sflag:$0x2], $0x80, s15, s15, $0xb8;
	[tilespmem:$0x18100] =	vst v63  }
0x65: {  	_ =	swait.ge [sflag:s14], $0x4000  }
0x66: {  	s20 =	sadd.s32 $0x1, s20;
	[sflag:s14] =	ssyncset.done $0x0  }
0x67: {  	p0 =	sne.s32 s20, s10;
	[sflag:s14] =	ssyncadd.s32 $0xFFFFC000  }
.Ltmp2:
0x68: {  	[bflag:$0x0] =	sbarrier.arrive $0xFFFF;
	(pc) =	sbr.rel @p0 .LBB2_1-.Ltmp2, $4  }
0x69: {  	[hbm:s17], [sflag:s18] =	dma.local [spmem:s19], $0x2800  }
0x6a: {  	_ =	swait.ge [sflag:s14], $0x2800  }
0x6b: {  	[sflag:s14] =	ssyncset.done $0x0  }
0x6c: {  	[sflag:s14] =	ssyncadd.s32 $0xFFFFD800  }
0x6d: {  	_ =	sfence.sel $0x180000  }
0x6e: {  	[bflag:$0x0] =	sbarrier.arrive $0xFFFF  }
0x6f: {  	p0 =	sne.s32 s1, $0x0;
	_ =	strace $0x9000004D  }
0x70: {  	s0 =	sadd.s32 @!p0 $0x100000, s0;
	[bflag:$0x2] =	sbarrier.arrive $0xFFFF  }
0x71: {  	[sflag:s0] =	ssyncadd.tile.s32 @!p0 $0x1;
	_ =	shalt  }
.Lfunc_end2:
_tile_overlayer_lowered:
.L_overlay_start_2:
0x72: {  	(tag) =	ssettag $0x2  }
0x73: {  	s0 =	rddreg [dreg:$0x0];
	s2 =	stileid.u32  }
0x74: {  	s1 =	rddreg [dreg:$0x1];
	p0 =	sne.s32 s2, $0x0  }
0x75: {  	s3 =	rddreg [dreg:$0x2];
	[bflag:$0x3] =	sbarrier.arrive $0xFFFF;
	s2 =	simm.s32 @!p0 $0x1C02  }
0x76: {  	[timem:s3], [sflag:s2] =	dma.local @!p0 [hbm:s0], s1  }
0x77: {  	s0 =	simm.s32 @!p0 $0x2  }
0x78: {  	_ =	swait.ge @!p0 [sflag:s0], s1  }
0x79: {  	s1 =	ssub.s32 @!p0 $0x0, s1;
	[sflag:s0] =	ssyncset.done @!p0 $0x0  }
0x7a: {  	[sflag:s0] =	ssyncadd.s32 @!p0 s1  }
0x7b: {  	[bflag:$0x3] =	sbarrier.arrive $0xFFFF  }
0x7c: {  	_ =	shalt  }

// kernel: kernel.8.cloned.1.call-start
scs
__scs_entry_jumppad:
0x0: {  	(pc) =	sbr.rel $0x88, $3  }
0x1: {  	(tag) =	ssettag $0x0;
	lr =	simm.s32 $0x1  }
0x2: {  	[smem:$0x3F9D] =	sst lr;
	_ =	strace $0xD0000000  }
0x3: {  	_ = 	snop  }
0x4: {  	_ = 	snop  }
0x5: {  	_ = 	snop  }
0x6: {  	_ = 	snop  }
0x7: {  	_ = 	snop  }
__scs_overlays_trampoline_lowered:
0x8: {  	[smem:$0x3FAC] =	sst s0  }
0x9: {  	[smem:$0x3FAD] =	sst s1  }
0xa: {  	[smem:$0x3FAE] =	sst s2  }
0xb: {  	[smem:$0x3FAF] =	sst s3  }
0xc: {  	[smem:$0x3FB0] =	sst s4  }
0xd: {  	[smem:$0x3FB1] =	sst s5  }
0xe: {  	[smem:$0x3FB2] =	sst s6  }
0xf: {  	[smem:$0x3FB3] =	sst s7  }
0x10: {  	[smem:$0x3FB4] =	sst s8  }
0x11: {  	[smem:$0x3FB5] =	sst s9;
	s0 =	simm.s32 @!p0 $0x0  }
0x12: {  	s1 =	sld [smem:$0x3F9B];
	s0 =	simm.s32 @p0 $0x1  }
0x13: {  	[smem:$0x3FB6] =	sst s0;
	s0 =	simm.s32 @!p1 $0x0  }
0x14: {  	s2 =	sld [smem:$0x3F9A];
	s0 =	simm.s32 @p1 $0x1  }
0x15: {  	[smem:$0x3FB7] =	sst s0;
	s0 =	simm.s32 @!p2 $0x0  }
0x16: {  	s3 =	sld [smem:$0x3FDB];
	s0 =	simm.s32 @p2 $0x1  }
0x17: {  	s4 =	simm.s32 $0x1BF5;
	[smem:$0x3FB9] =	sst s0  }
0x18: {  	s0 =	sld [smem:$0x3F9C];
	_ =	swait.ge [sflag:s4], $0x0  }
0x19: {  	s7 =	sld [smem:$0x3F9D]  }
0x1a: {  	s8 =	sadd.s32 $0xFFFFE003, lr  }
0x1b: {  	s9 =	sadd.s32 $0xFFFFFEF7, lr;
	s5 =	simm.s32 $0xFFFFFFFF;
	p2 =	slt.u32 s8, $0xFFFFF086  }
0x1c: {  	p1 =	slt.u32 s9, $0xF7A;
	s5 =	simm.s32 @!p2 $0x0  }
0x1d: {  	s5 =	simm.s32 @p1 $0x1;
	p0 =	seq.s32 s7, s2  }
0x1e: {  	s7 =	smul.u32 @!p0 $0xF7A, s2;
	p2 =	seq.s32 @!p0 s5, $0x0  }
0x1f: {  	s9 =	smul.u32 $0xF7A, s1;
	s8 =	simm.s32 @!p0 $0x1BF5;
	p2 =	por !p2, p0  }
0x20: {  	[sflag:s8] =	ssyncset.s32 @!p0 $0xFFFFF086;
	s6 =	sadd.s32 @!p0 s3, s7;
	s7 =	simm.s32 @!p0 $0x108  }
0x21: {  	s3 =	sadd.s32 s3, s9;
	s6 =	sadd.s32 @!p0 $0x88, s6;
	s7 =	simm.s32 @p2 $0x1082  }
0x22: {  	[simem:s7], [sflag:s8] =	dma.local @!p0 [hbm:s6], $0xF7A  }
0x23: {  	s9 =	sor.u32 $0xD0000000, s2;
	s6 =	simm.s32 $0x108;
	_ =	swait.ge @!p0 [sflag:s8], $0x0  }
0x24: {  	s3 =	sadd.s32 $0x88, s3;
	s6 =	simm.s32 @!p1 $0x1082;
	[sflag:s4] =	ssyncset.s32 $0xFFFFF086  }
0x25: {  	[simem:s6], [sflag:s4] =	dma.local [hbm:s3], $0xF7A  }
0x26: {  	[smem:$0x3F9D] =	sst s1;
	(tag) =	ssettag s2;
	_ =	strace s9  }
0x27: {  	s1 =	sld [smem:$0x3FAD]  }
0x28: {  	s2 =	sld [smem:$0x3FAE]  }
0x29: {  	s4 =	sld [smem:$0x3FB0]  }
0x2a: {  	p0 =	seq.s32 s5, $0x0;
	s5 =	sld [smem:$0x3FB1]  }
0x2b: {  	s6 =	sld [smem:$0x3FB2]  }
0x2c: {  	s7 =	sld [smem:$0x3FB3]  }
0x2d: {  	s3 =	simm.s32 $0x108;
	s8 =	sld [smem:$0x3FB4]  }
0x2e: {  	s3 =	simm.s32 @!p0 $0x1082;
	s9 =	sld [smem:$0x3FB5]  }
0x2f: {  	lr =	sadd.s32 s0, s3;
	s0 =	sld [smem:$0x3FAC]  }
0x30: {  	s3 =	sld [smem:$0x3FAF]  }
0x31: {  	[smem:$0x3FB8] =	sst s10  }
0x32: {  	s10 =	sld [smem:$0x3FB6];
	_ =	sdelay $0x3  }
0x33: {  	p0 =	seq.s32 s10, $0x1;
	s10 =	sld [smem:$0x3FB8];
	_ =	sdelay $0x3  }
0x34: {  	[smem:$0x3FB8] =	sst s10  }
0x35: {  	s10 =	sld [smem:$0x3FB7];
	_ =	sdelay $0x3  }
0x36: {  	p1 =	seq.s32 s10, $0x1;
	s10 =	sld [smem:$0x3FB8];
	_ =	sdelay $0x3  }
0x37: {  	[smem:$0x3FB8] =	sst s10  }
0x38: {  	s10 =	sld [smem:$0x3FB9]  }
0x39: {  	_ = 	snop;
	(pc) =	sbr.ind lr, $3  }
0x3a: {  	_ = 	snop  }
0x3b: {  	_ = 	snop  }
0x3c: {  	p2 =	seq.s32 s10, $0x1;
	s10 =	sld [smem:$0x3FB8]  }
0x3d: {  	_ =	shalt  }
0x3e: {  	_ =	shalt  }
0x3f: {  	_ =	shalt  }
0x40: {  	_ =	shalt  }
0x41: {  	_ =	shalt  }
0x42: {  	_ =	shalt  }
0x43: {  	_ =	shalt  }
0x44: {  	_ =	shalt  }
0x45: {  	_ =	shalt  }
0x46: {  	_ =	shalt  }
0x47: {  	_ =	shalt  }
0x48: {  	_ =	shalt  }
0x49: {  	_ =	shalt  }
0x4a: {  	_ =	shalt  }
0x4b: {  	_ =	shalt  }
0x4c: {  	_ =	shalt  }
0x4d: {  	_ =	shalt  }
0x4e: {  	_ =	shalt  }
0x4f: {  	_ =	shalt  }
0x50: {  	_ =	shalt  }
0x51: {  	_ =	shalt  }
0x52: {  	_ =	shalt  }
0x53: {  	_ =	shalt  }
0x54: {  	_ =	shalt  }
0x55: {  	_ =	shalt  }
0x56: {  	_ =	shalt  }
0x57: {  	_ =	shalt  }
0x58: {  	_ =	shalt  }
0x59: {  	_ =	shalt  }
0x5a: {  	_ =	shalt  }
0x5b: {  	_ =	shalt  }
0x5c: {  	_ =	shalt  }
0x5d: {  	_ =	shalt  }
0x5e: {  	_ =	shalt  }
0x5f: {  	_ =	shalt  }
0x60: {  	_ =	shalt  }
0x61: {  	_ =	shalt  }
0x62: {  	_ =	shalt  }
0x63: {  	_ =	shalt  }
0x64: {  	_ =	shalt  }
0x65: {  	_ =	shalt  }
0x66: {  	_ =	shalt  }
0x67: {  	_ =	shalt  }
0x68: {  	_ =	shalt  }
0x69: {  	_ =	shalt  }
0x6a: {  	_ =	shalt  }
0x6b: {  	_ =	shalt  }
0x6c: {  	_ =	shalt  }
0x6d: {  	_ =	shalt  }
0x6e: {  	_ =	shalt  }
0x6f: {  	_ =	shalt  }
0x70: {  	_ =	shalt  }
0x71: {  	_ =	shalt  }
0x72: {  	_ =	shalt  }
0x73: {  	_ =	shalt  }
0x74: {  	_ =	shalt  }
0x75: {  	_ =	shalt  }
0x76: {  	_ =	shalt  }
0x77: {  	_ =	shalt  }
0x78: {  	_ =	shalt  }
0x79: {  	_ =	shalt  }
0x7a: {  	_ =	shalt  }
0x7b: {  	_ =	shalt  }
0x7c: {  	_ =	shalt  }
0x7d: {  	_ =	shalt  }
0x7e: {  	_ =	shalt  }
0x7f: {  	_ =	shalt  }
0x80: {  	_ =	shalt  }
0x81: {  	_ =	shalt  }
0x82: {  	_ =	shalt  }
0x83: {  	_ =	shalt  }
0x84: {  	_ =	shalt  }
0x85: {  	_ =	shalt  }
0x86: {  	_ =	shalt  }
0x87: {  	_ =	shalt  }
.Lfunc_end0:
.L_simem_size_0:
called_computation_lowered:
.L_overlay_start_0:
0x88: {  	s2 =	sld [smem:$0x3FD9]  }
0x89: {  	s3 =	sld [smem:$0x3FFE];
	_ =	sdelay $0x1  }
0x8a: {  	s1 =	srdreg.scid  }
0x8b: {  	s0 =	sand.u32 $0x1, s1  }
0x8c: {  	s17 =	sshll.u32 s0, $0xA;
	s2 =	sadd.s32 s3, s2  }
0x8d: {  	s2 =	sadd.s32 s2, s17  }
0x8e: {  	[smem:$0x3FC4] =	sst s2  }
0x8f: {  	_ = 	snop  }
0x90: {  	s2 =	sld [smem:$0x3FD0];
	(tm) =	ssettm $0x1  }
0x91: {  	s18 =	sld [smem:$0x3FFB];
	_ =	sdelay $0x3  }
0x92: {  	_ =	strace s18  }
0x93: {  	s3 =	sld [smem:$0x3FFC];
	_ =	sdelay $0x3  }
0x94: {  	_ =	strace s3  }
0x95: {  	s3 =	sld [smem:$0x3FFD];
	_ =	sdelay $0x3  }
0x96: {  	_ =	strace s3  }
0x97: {  	_ =	strace $0x8FFFFFFF  }
0x98: {  	s19 =	sld [smem:$0x3FDB];
	_ =	sdelay $0x1  }
0x99: {  	s4 =	simm.s32 $_scs_section_size  }
0x9a: {  	s5 =	simm.s32 $_size__tile_overlayer_lowered;
	s6 =	simm.s32 $_tile_overlayer_lowered  }
0x9b: {  	s22 =	simm.s32 $0x1BFF;
	s21 =	sshll.u32 s6, $0x1;
	s3 =	sadd.s32 s4, s19  }
0x9c: {  	s7 =	simm.s32 $0x0;
	s20 =	sshll.u32 s5, $0x1;
	s5 =	sadd.s32 s21, s3  }
0x9d: {  	[timem:s7], [sflag:s22] =	dma.local [hbm:s5], s20  }
0x9e: {  	_ =	swait.ge [sflag:s22], s20  }
0x9f: {  	s4 =	ssub.s32 $0x0, s20;
	[sflag:s22] =	ssyncset.done $0x0  }
0xa0: {  	[sflag:s22] =	ssyncadd.s32 s4;
	_ =	sdelay $0x1  }
0xa1: {  	s23 =	simm.s32 $0x1B8B  }
0xa2: {  	_ =	swait.ge [sflag:s23], $0x1  }
0xa3: {  	[sflag:s23] =	ssyncset.done $0x0  }
0xa4: {  	s25 =	simm.s32 $0x1B8E;
	s24 =	sld [smem:$0x3FFE];
	[sflag:s23] =	ssyncadd.s32 $0xFFFFFFFF  }
0xa5: {  	s26 =	simm.s32 $execute0_lowered;
	[smem:$0x3FD2] =	sst s25  }
0xa6: {  	s5 =	sshll.u32 s26, $0x1;
	_ =	strace $0x80000046;
	[dreg:$0x1] =	wrdreg $0xFFFFFFFF  }
0xa7: {  	s28 =	simm.s32 $_size_execute0_lowered;
	s3 =	sadd.s32 s3, s5;
	[dreg:$0x0] =	wrdreg $0x0  }
0xa8: {  	s5 =	sshll.u32 s28, $0x1;
	[dreg:$0x2] =	wrdreg s3  }
0xa9: {  	[dreg:$0x3] =	wrdreg s5  }
0xaa: {  	[dreg:$0x4] =	wrdreg $0xC0  }
0xab: {  	_ =	task [dreg:s7], $0x5FFFF  }
0xac: {  	[dreg:$0x1] =	wrdreg $0xFFFFFFFF  }
0xad: {  	[dreg:$0x0] =	wrdreg $0x60  }
0xae: {  	[dreg:$0x2] =	wrdreg s2  }
0xaf: {  	[dreg:$0x3] =	wrdreg s24  }
0xb0: {  	[dreg:$0x4] =	wrdreg $0x9  }
0xb1: {  	_ =	task.clear_ibuf [dreg:s7], $0x5FFFF;
	_ =	strace $0x90000046  }
0xb2: {  	s29 =	simm.s32 $0x9;
	_ =	strace $0x80000048  }
0xb3: {  	_ =	swait.ge [sflag:s29], $0x1  }
0xb4: {  	[sflag:s29] =	ssyncadd.s32 $0xFFFFFFFF  }
0xb5: {  	_ =	strace $0x90000048  }
0xb6: {  	_ =	sfence  }
0xb7: {  	s30 =	sld [smem:$0x0];
	_ =	sdelay $0x2  }
0xb8: {  	s31 =	sshll.u32 s1, $0xD;
	s1 =	sshrl.u32 s1, $0x2  }
0xb9: {  	s3 =	sand.u32 $0x4000, s31;
	s1 =	sadd.s32 s1, s30  }
0xba: {  	s0 =	sor.u32 s3, s0;
	s1 =	sshll.u32 s1, $0x11  }
0xbb: {  	s0 =	sor.u32 s1, s0  }
0xbc: {  	s0 =	sadd.s32 $0x8F2B, s0  }
0xbd: {  	[sflag:s0] =	ssyncadd.remote.s32 $0x1  }
0xbe: {  	_ =	sfence.sel $0xFFFF  }
0xbf: {  	[dreg:$0x0] =	wrdreg $0xFFFFFFFF;
	(pc) =	sbr.abs _section_cstart, $3  }
0xc0: {  	[dreg:$0x1] =	wrdreg $0xFFFFFFFF  }
0xc1: {  	_ =	task.clear_ibuf [dreg:s7], $0x2FFFF;
	_ =	strace $0x9FFFFFFF  }
0xc2: {  	(tm) =	ssettm $0x7FFFFFFF  }
0xc3: {  	_ =	shalt  }
tec
execute0_lowered:
.L_overlay_start_1:
0x0: {  	(tag) =	ssettag $0x1  }
0x1: {  	s3 =	rddreg [dreg:$0x0];
	s1 =	srdreg.scid  }
0x2: {  	s0 =	stileid.u32;
	s4 =	rddreg [dreg:$0x1];
	s9 =	simm.s32 $0x400  }
0x3: {  	s5 =	sand.u32 $0x1, s1;
	s2 =	sshll.u32 s0, $0x1;
	s1 =	rddreg [dreg:$0x2]  }
0x4: {  	s7 =	sshrl.u32 s0, $0x2;
	s6 =	sor.u32 s5, s2;
	s2 =	simm.s32 $0x0  }
0x5: {  	s7 =	smul.u32 $0x14000, s7;
	s5 =	ssub.s32 $0x2, s5;
	s8 =	sshll.u32 s6, $0x7  }
0x6: {  	[smem:$0x7FF] =	sst s2;
	s6 =	smul.u32 $0x500, s6;
	s8 =	sand.u32 $0x380, s8  }
0x7: {  	s31 =	sshrl.u32 s5, $0x1;
	_ =	strace $0x80000047;
	s7 =	sor.u32 s7, s8  }
0x8: {  	s5 =	ssub.s32 s5, s31;
	s3 =	sadd.s32 s3, s6;
	s7 =	sshrl.u32 s7, $0x3  }
0x9: {  	s5 =	smax.u32 s5, $0x1;
	s6 =	simm.s32 $0x1;
	s4 =	sadd.s32 s7, s4  }
0xa: {  	v0 =	vimm.f32 $0.0e+00;
	v1 =	vimm.f32 $1.000000000e+00;
	s8 =	simm.s32 $0x80;
	s7 =	simm.s32 $0x2800;
	s4 =	sadd.s32 $0x1800, s4  }
.LBB2_1:
0xb: {  	s10 =	simm.s32 $0x40;
	s11 =	simm.s32 $0x0  }
.LBB2_2:
0xc: {  	p0 =	sne.s32 s10, $0x9FC0;
	[tilespmem:s11+$0x2800] =	vst v0;
	s11 =	smov.u32 s10;
	s10 =	sadd.s32 $0x40, s10  }
.Ltmp0:
0xd: {  	(pc) =	sbr.rel @p0 .LBB2_2-.Ltmp0, $2  }
0xe: {  	_ =	sdelay $0x2  }
0xf: {  	s11 =	sshra.s32 s11, $0x2  }
0x10: {  	[tilespmem:s11+$0x2800] =	vst v0;
	s10 =	simm.s32 $0x0  }
0x11: {  	[tilespmem:s10], [sflag:$0x1] =	stream.linear.gather [hbm4b:s3+s10], $0x2800, $0x38;
	[tilespmem:$0x5000] =	vst v63  }
0x12: {  	_ =	swait.ge [sflag:s6], $0x2800  }
0x13: {  	[sflag:s6] =	ssyncset.done $0x0  }
0x14: {  	s11 =	simm.s32 $0x0;
	s10 =	simm.s32 $0x40;
	[sflag:s6] =	ssyncadd.s32 $0xFFFFD800  }
.LBB2_4:
0x15: {  	p0 =	sne.s32 s10, $0x9FC0;
	v2 =	vld [tilespmem:s11+$0x0];
	_ =	sdelay $0x3  }
.Ltmp1:
0x16: {  	(pc) =	sbr.rel @p0 .LBB2_4-.Ltmp1, $2  }
0x17: {  	_ =	sdelay $0x2  }
0x18: {  	s11 =	sshra.s32 s10, $0x2;
	s10 =	sadd.s32 $0x40, s10;
	[tilespmem:v2+s7+$0x0] =	vst.idx.add.f32.msk $0xffff, v1  }
0x19: {  	v2 =	vld [tilespmem:s11+$0x0];
	_ =	sdelay $0x5  }
0x1a: {  	s2 =	sadd.s32 $0x1, s2  }
0x1b: {  	p0 =	sne.s32 s2, s5  }
.Ltmp2:
0x1c: {  	[tilespmem:v2+s7+$0x0] =	vst.idx.add.f32.msk $0xffff, v1;
	(pc) =	sbr.rel @p0 .LBB2_1-.Ltmp2, $4  }
0x1d: {  	[hbm4b:s4+s8] =	stream.strided.scatter [tilespmem:s7], [sflag:$0x1], $0x2800, s9, s8, $0x38;
	[tilespmem:$0x5000] =	vst v63  }
0x1e: {  	_ =	swait.ge [sflag:s6], $0x2800  }
0x1f: {  	[sflag:s6] =	ssyncset.done $0x0  }
0x20: {  	[sflag:s6] =	ssyncadd.s32 $0xFFFFD800  }
0x21: {  	_ =	sfence.sel $0x180000  }
0x22: {  	[bflag:$0x0] =	sbarrier.arrive $0xFFFF  }
0x23: {  	p0 =	sne.s32 s0, $0x0;
	_ =	strace $0x90000047  }
0x24: {  	s0 =	sadd.s32 @!p0 $0x100000, s1;
	[bflag:$0x2] =	sbarrier.arrive $0xFFFF  }
0x25: {  	[sflag:s0] =	ssyncadd.tile.s32 @!p0 $0x1;
	_ =	shalt  }
.Lfunc_end2:
_tile_overlayer_lowered:
.L_overlay_start_2:
0x26: {  	(tag) =	ssettag $0x2  }
0x27: {  	s0 =	rddreg [dreg:$0x0];
	s2 =	stileid.u32  }
0x28: {  	s1 =	rddreg [dreg:$0x1];
	p0 =	sne.s32 s2, $0x0  }
0x29: {  	s3 =	rddreg [dreg:$0x2];
	[bflag:$0x3] =	sbarrier.arrive $0xFFFF;
	s2 =	simm.s32 @!p0 $0x1C01  }
0x2a: {  	[timem:s3], [sflag:s2] =	dma.local @!p0 [hbm:s0], s1  }
0x2b: {  	s0 =	simm.s32 @!p0 $0x1  }
0x2c: {  	_ =	swait.ge @!p0 [sflag:s0], s1  }
0x2d: {  	s1 =	ssub.s32 @!p0 $0x0, s1;
	[sflag:s0] =	ssyncset.done @!p0 $0x0  }
0x2e: {  	[sflag:s0] =	ssyncadd.s32 @!p0 s1  }
0x2f: {  	[bflag:$0x3] =	sbarrier.arrive $0xFFFF  }
0x30: {  	_ =	shalt  }

</sc_bundles>
